<compile_context>
chip_gen: v7x
topology: tpu7x:2x2x1
jax: 0.10.2.dev20260603
libtpu: 0.0.44.dev20260713+nightly
codegen_flags: <defaults>
</compile_context>

<pallas_src>
import functools

import jax
import jax.numpy as jnp
from jax import lax
from jax.experimental import pallas as pl
from jax.experimental.pallas import tpu as pltpu
from jax.experimental.pallas import tpu_sc as plsc

_BN = 16 * 576
_K = 1024
_D = 256
_BLK = 512
_CC = 128
_TC = 128


def _rowsq(m):
    s = m * m
    h = s[:, :128] + s[:, 128:]
    acc = h[:, 0:8]
    for v in range(1, 16):
        acc = acc + h[:, 8 * v:8 * v + 8]
    t = acc[:, :4] + acc[:, 4:]
    t = t[:, :2] + t[:, 2:]
    return t[:, 0] + t[:, 1]


def _colsq(mT):
    s = mT * mT
    h = s[:128, :] + s[128:, :]
    acc = h[0:8]
    for v in range(1, 16):
        acc = acc + h[8 * v:8 * v + 8]
    t = acc[:4] + acc[4:]
    t = t[:2] + t[2:]
    return t[0:1] + t[1:2]


def _vq_block(x_ref, e_ref, idx_ref, esq_ref):
    @pl.when(pl.program_id(0) == 0)
    def _():
        esq_ref[...] = _rowsq(e_ref[...])[:, None]

    xb = x_ref[...]
    esq = esq_ref[...]
    iota0 = jax.lax.broadcasted_iota(jnp.int32, (_CC, _TC), 0)
    e = e_ref[...]

    half = _BLK // 2
    for h in range(2):
        hs = slice(h * half, (h + 1) * half)
        xh = xb[hs, :]
        cross2 = jax.lax.dot_general(
            e, xh + xh, (((1,), (1,)), ((), ())),
            preferred_element_type=jnp.float32)
        xsq = _colsq(xh.T)

        for t in range(half // _TC):
            ts = slice(t * _TC, (t + 1) * _TC)
            xsq_t = xsq[:, ts]
            carry_v = None
            carry_i = None
            for c in range(_K // _CC):
                tile = cross2[c * _CC:(c + 1) * _CC, ts]
                d2 = jnp.maximum(
                    xsq_t - tile + esq[c * _CC:(c + 1) * _CC, :], 0.0)
                v = jnp.sqrt(d2)
                mv = jnp.min(v, axis=0, keepdims=True)
                cand = jnp.where(v == mv, iota0, _K)
                ci = jnp.min(cand, axis=0, keepdims=True) + c * _CC
                if carry_v is None:
                    carry_v, carry_i = mv, ci
                else:
                    better = mv < carry_v
                    carry_i = jnp.where(better, ci, carry_i)
                    carry_v = jnp.minimum(carry_v, mv)
            idx_ref[:, slice(h * half + t * _TC,
                             h * half + (t + 1) * _TC)] = carry_i


def _tc_indices(flat, e):
    idx = pl.pallas_call(
        _vq_block,
        grid=(_BN // _BLK,),
        in_specs=[
            pl.BlockSpec((_BLK, _D), lambda i: (i, 0)),
            pl.BlockSpec((_K, _D), lambda i: (0, 0)),
        ],
        out_specs=pl.BlockSpec((1, _BLK), lambda i: (0, i)),
        out_shape=jax.ShapeDtypeStruct((1, _BN), jnp.int32),
        scratch_shapes=[pltpu.VMEM((_K, 1), jnp.float32)],
    )(flat, e)
    return idx.reshape(_BN)


_SC_INFO = plsc.get_sparse_core_info()
_NW = _SC_INFO.num_cores * _SC_INFO.num_subcores
_BPW = _BN // _NW


@functools.partial(
    pl.kernel,
    mesh=plsc.VectorSubcoreMesh(core_axis_name="c", subcore_axis_name="s"),
    out_type=jax.ShapeDtypeStruct((_BN, _D), jnp.float32),
    scratch_types=[
        pltpu.VMEM((_BPW,), jnp.int32),
        pltpu.VMEM((_BPW, _D), jnp.float32),
        pltpu.SemaphoreType.DMA,
    ],
)
def _sc_gather(table_hbm, idx_hbm, out_hbm, idx_v, rows_v, sem):
    wid = lax.axis_index("s") * _SC_INFO.num_cores + lax.axis_index("c")
    base = wid * _BPW
    pltpu.sync_copy(idx_hbm.at[pl.ds(base, _BPW)], idx_v)
    pltpu.async_copy(table_hbm.at[idx_v], rows_v, sem).wait()
    pltpu.sync_copy(rows_v, out_hbm.at[pl.ds(base, _BPW)])


@jax.jit
def kernel(x, embed):
    x = x.astype(jnp.float32)
    b, n, d = x.shape
    flat = x.reshape(b * n, d)
    e = embed[0]
    idx = _tc_indices(flat, e)
    quantize = _sc_gather(e, idx)
    return quantize.reshape(b, n, d), idx.reshape(b, n)

# --- scband reference (transcript-rebuilt; emitter-appended) ---
"""Pipeline reference for scband-euclidean-codebook-47768626266324 (READ-ONLY COPY).

The authoritative reference and input builder live on the scoring server;
editing this copy changes nothing except your own understanding.
"""

import jax, jax.numpy as jnp
import numpy as np


def setup_inputs(seed: int = 0) -> dict:
    key = jax.random.key(seed)
    k1, k2 = jax.random.split(key)
    x = jax.random.normal(k1, (16, 576, 256), dtype=jnp.float32)
    # embed buffer initialized with uniform_init(1, codebook_size, dim)
    embed = jax.random.uniform(k2, (1, 1024, 256), dtype=jnp.float32,
                               minval=-1.0 / 1024.0, maxval=1.0 / 1024.0)
    return {"x": x, "embed": embed}


def reference(x, embed):
    # x.ndim < 4 -> add codebook (head) dim
    x = x.astype(jnp.float32)
    x4 = x[None, ...]                      # [1, B, N, D]
    h, b, n, d = x4.shape
    flatten = x4.reshape(h, b * n, d)      # [1, B*N, D]

    # dist = -torch.cdist(flatten, embed, p=2)
    x_sq = jnp.sum(flatten ** 2, axis=-1, keepdims=True)          # [1, BN, 1]
    e_sq = jnp.sum(embed ** 2, axis=-1)                            # [1, K]
    cross = jnp.einsum('hnd,hcd->hnc', flatten, embed)             # [1, BN, K]
    d2 = jnp.clip(x_sq - 2.0 * cross + e_sq[:, None, :], 0.0, None)
    dist = -jnp.sqrt(d2)

    # gumbel_sample with temperature 0 -> plain argmax
    embed_ind = jnp.argmax(dist, axis=-1)                          # [1, BN]
    embed_ind = embed_ind.reshape(h, b, n)                         # [1, B, N]

    # batched_embedding: per-head gather from codebook
    quantize = jnp.take(embed[0], embed_ind[0].reshape(-1), axis=0).reshape(b, n, d)

    # remove codebook dim (needs_codebook_dim)
    return quantize, embed_ind[0]

if __name__ == "__main__":
    import jax
    _d = setup_inputs()
    print(jax.jit(kernel)(*tuple(_d.values())))

</pallas_src>

<mosaic_0001>
#map = affine_map<(d0, d1) -> (0, 0)>
#map1 = affine_map<(d0, d1) -> (0)>
module attributes {stable_mosaic.version = 14 : i64} {
  func.func @_sc_gather(%arg0: i32, %arg1: i32, %arg2: memref<1024x256xf32, #tpu.memory_space<hbm>>, %arg3: memref<9216xi32, #tpu.memory_space<hbm>>, %arg4: memref<9216x256xf32, #tpu.memory_space<hbm>>, %arg5: memref<288xi32, #tpu.memory_space<vmem>>, %arg6: memref<288x256xf32, #tpu.memory_space<vmem>>, %arg7: memref<!tpu.dma_semaphore, #tpu.memory_space<semaphore_mem>>) attributes {dimension_semantics = [#tpu.dimension_semantics<core_parallel>, #tpu.dimension_semantics<subcore_parallel>], iteration_bounds = array<i64: 2, 16>, scalar_prefetch = 0 : i64, scratch_operands = 3 : i64, tpu.core_type = #tpu.core_type<sc_vector_subcore>, window_params = [{transform_indices = #map}, {transform_indices = #map1}, {transform_indices = #map}]} {
    %mul3A = arith.constant 2 : i32
    %mul3A_0 = arith.muli %arg1, %mul3A : i32
    %add3A = arith.addi %mul3A_0, %arg0 : i32
    %mul3A_1 = arith.constant 288 : i32
    %mul3A_2 = arith.muli %add3A, %mul3A_1 : i32
    "tpu.region"() ({
      %run_scoped3A = tpu.sem_alloc : memref<!tpu.dma_semaphore, #tpu.memory_space<semaphore_mem>>
      %dma_start3A_7 = tpu.memref_slice %arg3[%mul3A_2] : memref<9216xi32, #tpu.memory_space<hbm>> -> memref<288xi32, #tpu.memory_space<hbm>>
      %dma_start3A_8 = tpu.memref_slice %arg3[%mul3A_2] : memref<9216xi32, #tpu.memory_space<hbm>> -> memref<288xi32, #tpu.memory_space<hbm>>
      tpu.enqueue_dma source(%dma_start3A_8 : memref<288xi32, #tpu.memory_space<hbm>>) target(%arg5 : memref<288xi32, #tpu.memory_space<vmem>>) target_semaphore(%run_scoped3A : memref<!tpu.dma_semaphore, #tpu.memory_space<semaphore_mem>>)
      %dma_wait3A_9 = tpu.memref_slice %arg3[%mul3A_2] : memref<9216xi32, #tpu.memory_space<hbm>> -> memref<288xi32, #tpu.memory_space<hbm>>
      %dma_wait3A_10 = tpu.memref_slice %arg3[%mul3A_2] : memref<9216xi32, #tpu.memory_space<hbm>> -> memref<288xi32, #tpu.memory_space<hbm>>
      tpu.wait_dma2 semaphore(%run_scoped3A : memref<!tpu.dma_semaphore, #tpu.memory_space<semaphore_mem>>) src(%dma_wait3A_10 : memref<288xi32, #tpu.memory_space<hbm>>) dst(%arg5 : memref<288xi32, #tpu.memory_space<vmem>>)
      tpu.yield
    }) : () -> ()
    %dma_start3A = arith.constant 0 : i32
    %dma_start3A_3 = arith.constant 0 : i32
    %dma_start3A_4 = tpu.memref_slice %arg2[%dma_start3A, %dma_start3A_3] : memref<1024x256xf32, #tpu.memory_space<hbm>> -> memref<1024x256xf32, #tpu.memory_space<hbm>>
    tpu.enqueue_indirect_dma source(%dma_start3A_4 : memref<1024x256xf32, #tpu.memory_space<hbm>>) target(%arg6 : memref<288x256xf32, #tpu.memory_space<vmem>>) offsets(%arg5 : memref<288xi32, #tpu.memory_space<vmem>>) semaphore(%arg7 : memref<!tpu.dma_semaphore, #tpu.memory_space<semaphore_mem>>)
    %dma_wait3A = arith.constant 0 : i32
    %dma_wait3A_5 = arith.constant 0 : i32
    %dma_wait3A_6 = tpu.memref_slice %arg2[%dma_wait3A, %dma_wait3A_5] : memref<1024x256xf32, #tpu.memory_space<hbm>> -> memref<1024x256xf32, #tpu.memory_space<hbm>>
    tpu.wait_indirect_dma semaphore(%arg7 : memref<!tpu.dma_semaphore, #tpu.memory_space<semaphore_mem>>) src(%dma_wait3A_6 : memref<1024x256xf32, #tpu.memory_space<hbm>>) dst(%arg6 : memref<288x256xf32, #tpu.memory_space<vmem>>)
    "tpu.region"() ({
      %run_scoped3A = tpu.sem_alloc : memref<!tpu.dma_semaphore, #tpu.memory_space<semaphore_mem>>
      %dma_start3A_7 = arith.constant 0 : i32
      %dma_start3A_8 = tpu.memref_slice %arg4[%mul3A_2, %dma_start3A_7] : memref<9216x256xf32, #tpu.memory_space<hbm>> -> memref<288x256xf32, #tpu.memory_space<hbm>>
      %dma_start3A_9 = arith.constant 0 : i32
      %dma_start3A_10 = tpu.memref_slice %arg4[%mul3A_2, %dma_start3A_9] : memref<9216x256xf32, #tpu.memory_space<hbm>> -> memref<288x256xf32, #tpu.memory_space<hbm>>
      tpu.enqueue_dma source(%arg6 : memref<288x256xf32, #tpu.memory_space<vmem>>) target(%dma_start3A_10 : memref<288x256xf32, #tpu.memory_space<hbm>>) target_semaphore(%run_scoped3A : memref<!tpu.dma_semaphore, #tpu.memory_space<semaphore_mem>>)
      %dma_wait3A_11 = arith.constant 0 : i32
      %dma_wait3A_12 = tpu.memref_slice %arg4[%mul3A_2, %dma_wait3A_11] : memref<9216x256xf32, #tpu.memory_space<hbm>> -> memref<288x256xf32, #tpu.memory_space<hbm>>
      %dma_wait3A_13 = arith.constant 0 : i32
      %dma_wait3A_14 = tpu.memref_slice %arg4[%mul3A_2, %dma_wait3A_13] : memref<9216x256xf32, #tpu.memory_space<hbm>> -> memref<288x256xf32, #tpu.memory_space<hbm>>
      tpu.wait_dma2 semaphore(%run_scoped3A : memref<!tpu.dma_semaphore, #tpu.memory_space<semaphore_mem>>) src(%arg6 : memref<288x256xf32, #tpu.memory_space<vmem>>) dst(%dma_wait3A_14 : memref<288x256xf32, #tpu.memory_space<hbm>>)
      tpu.yield
    }) : () -> ()
    return
  }
}

module attributes {stable_mosaic.version = 14 : i64} {
  func.func @_vq_block(%arg0: i32, %arg1: memref<512x256xf32, #tpu.memory_space<vmem>>, %arg2: memref<1024x256xf32, #tpu.memory_space<vmem>>, %arg3: memref<1x512xi32, #tpu.memory_space<vmem>>, %arg4: memref<1024x1xf32, #tpu.memory_space<vmem>>) attributes {dimension_semantics = [#tpu.dimension_semantics<arbitrary>], iteration_bounds = array<i64: 18>, scalar_prefetch = 0 : i64, scratch_operands = 1 : i64, tpu.core_type = #tpu.core_type<tc>, window_params = [{transform_indices = @transform_0, window_bounds = array<i64: 512, 256>}, {pipeline_mode = #tpu.pipeline_mode<synchronous>, transform_indices = @transform_1, window_bounds = array<i64: 1024, 256>}, {transform_indices = @transform_2, window_bounds = array<i64: 1, 512>}]} {
    %eq3A = arith.constant 0 : i32
    %eq3A_0 = arith.cmpi eq, %arg0, %eq3A : i32
    %convert_element_type3A = arith.extui %eq3A_0 : i1 to i32
    %cond3A = arith.constant 0 : i32
    %cond3A_1 = arith.cmpi ne, %convert_element_type3A, %cond3A : i32
    scf.if %cond3A_1 {
      %get3A_957 = arith.constant 0 : index
      %get3A_958 = arith.constant 0 : index
      %get3A_959 = vector.load %arg2[%get3A_957, %get3A_958] : memref<1024x256xf32, #tpu.memory_space<vmem>>, vector<1024x256xf32>
      %mul3A_960 = arith.mulf %get3A_959, %get3A_959 : vector<1024x256xf32>
      %slice3A_961 = vector.extract_strided_slice %mul3A_960 {offsets = [0, 0], sizes = [1024, 128], strides = [1, 1]} : vector<1024x256xf32> to vector<1024x128xf32>
      %slice3A_962 = vector.extract_strided_slice %mul3A_960 {offsets = [0, 128], sizes = [1024, 128], strides = [1, 1]} : vector<1024x256xf32> to vector<1024x128xf32>
      %add3A_963 = arith.addf %slice3A_961, %slice3A_962 : vector<1024x128xf32>
      %slice3A_964 = vector.extract_strided_slice %add3A_963 {offsets = [0, 0], sizes = [1024, 8], strides = [1, 1]} : vector<1024x128xf32> to vector<1024x8xf32>
      %slice3A_965 = vector.extract_strided_slice %add3A_963 {offsets = [0, 8], sizes = [1024, 8], strides = [1, 1]} : vector<1024x128xf32> to vector<1024x8xf32>
      %add3A_966 = arith.addf %slice3A_964, %slice3A_965 : vector<1024x8xf32>
      %slice3A_967 = vector.extract_strided_slice %add3A_963 {offsets = [0, 16], sizes = [1024, 8], strides = [1, 1]} : vector<1024x128xf32> to vector<1024x8xf32>
      %add3A_968 = arith.addf %add3A_966, %slice3A_967 : vector<1024x8xf32>
      %slice3A_969 = vector.extract_strided_slice %add3A_963 {offsets = [0, 24], sizes = [1024, 8], strides = [1, 1]} : vector<1024x128xf32> to vector<1024x8xf32>
      %add3A_970 = arith.addf %add3A_968, %slice3A_969 : vector<1024x8xf32>
      %slice3A_971 = vector.extract_strided_slice %add3A_963 {offsets = [0, 32], sizes = [1024, 8], strides = [1, 1]} : vector<1024x128xf32> to vector<1024x8xf32>
      %add3A_972 = arith.addf %add3A_970, %slice3A_971 : vector<1024x8xf32>
      %slice3A_973 = vector.extract_strided_slice %add3A_963 {offsets = [0, 40], sizes = [1024, 8], strides = [1, 1]} : vector<1024x128xf32> to vector<1024x8xf32>
      %add3A_974 = arith.addf %add3A_972, %slice3A_973 : vector<1024x8xf32>
      %slice3A_975 = vector.extract_strided_slice %add3A_963 {offsets = [0, 48], sizes = [1024, 8], strides = [1, 1]} : vector<1024x128xf32> to vector<1024x8xf32>
      %add3A_976 = arith.addf %add3A_974, %slice3A_975 : vector<1024x8xf32>
      %slice3A_977 = vector.extract_strided_slice %add3A_963 {offsets = [0, 56], sizes = [1024, 8], strides = [1, 1]} : vector<1024x128xf32> to vector<1024x8xf32>
      %add3A_978 = arith.addf %add3A_976, %slice3A_977 : vector<1024x8xf32>
      %slice3A_979 = vector.extract_strided_slice %add3A_963 {offsets = [0, 64], sizes = [1024, 8], strides = [1, 1]} : vector<1024x128xf32> to vector<1024x8xf32>
      %add3A_980 = arith.addf %add3A_978, %slice3A_979 : vector<1024x8xf32>
      %slice3A_981 = vector.extract_strided_slice %add3A_963 {offsets = [0, 72], sizes = [1024, 8], strides = [1, 1]} : vector<1024x128xf32> to vector<1024x8xf32>
      %add3A_982 = arith.addf %add3A_980, %slice3A_981 : vector<1024x8xf32>
      %slice3A_983 = vector.extract_strided_slice %add3A_963 {offsets = [0, 80], sizes = [1024, 8], strides = [1, 1]} : vector<1024x128xf32> to vector<1024x8xf32>
      %add3A_984 = arith.addf %add3A_982, %slice3A_983 : vector<1024x8xf32>
      %slice3A_985 = vector.extract_strided_slice %add3A_963 {offsets = [0, 88], sizes = [1024, 8], strides = [1, 1]} : vector<1024x128xf32> to vector<1024x8xf32>
      %add3A_986 = arith.addf %add3A_984, %slice3A_985 : vector<1024x8xf32>
      %slice3A_987 = vector.extract_strided_slice %add3A_963 {offsets = [0, 96], sizes = [1024, 8], strides = [1, 1]} : vector<1024x128xf32> to vector<1024x8xf32>
      %add3A_988 = arith.addf %add3A_986, %slice3A_987 : vector<1024x8xf32>
      %slice3A_989 = vector.extract_strided_slice %add3A_963 {offsets = [0, 104], sizes = [1024, 8], strides = [1, 1]} : vector<1024x128xf32> to vector<1024x8xf32>
      %add3A_990 = arith.addf %add3A_988, %slice3A_989 : vector<1024x8xf32>
      %slice3A_991 = vector.extract_strided_slice %add3A_963 {offsets = [0, 112], sizes = [1024, 8], strides = [1, 1]} : vector<1024x128xf32> to vector<1024x8xf32>
      %add3A_992 = arith.addf %add3A_990, %slice3A_991 : vector<1024x8xf32>
      %slice3A_993 = vector.extract_strided_slice %add3A_963 {offsets = [0, 120], sizes = [1024, 8], strides = [1, 1]} : vector<1024x128xf32> to vector<1024x8xf32>
      %add3A_994 = arith.addf %add3A_992, %slice3A_993 : vector<1024x8xf32>
      %slice3A_995 = vector.extract_strided_slice %add3A_994 {offsets = [0, 0], sizes = [1024, 4], strides = [1, 1]} : vector<1024x8xf32> to vector<1024x4xf32>
      %slice3A_996 = vector.extract_strided_slice %add3A_994 {offsets = [0, 4], sizes = [1024, 4], strides = [1, 1]} : vector<1024x8xf32> to vector<1024x4xf32>
      %add3A_997 = arith.addf %slice3A_995, %slice3A_996 : vector<1024x4xf32>
      %slice3A_998 = vector.extract_strided_slice %add3A_997 {offsets = [0, 0], sizes = [1024, 2], strides = [1, 1]} : vector<1024x4xf32> to vector<1024x2xf32>
      %slice3A_999 = vector.extract_strided_slice %add3A_997 {offsets = [0, 2], sizes = [1024, 2], strides = [1, 1]} : vector<1024x4xf32> to vector<1024x2xf32>
      %add3A_1000 = arith.addf %slice3A_998, %slice3A_999 : vector<1024x2xf32>
      %slice3A_1001 = vector.extract_strided_slice %add3A_1000 {offsets = [0, 0], sizes = [1024, 1], strides = [1, 1]} : vector<1024x2xf32> to vector<1024x1xf32>
      %squeeze3A = vector.shape_cast %slice3A_1001 : vector<1024x1xf32> to vector<1024xf32>
      %slice3A_1002 = vector.extract_strided_slice %add3A_1000 {offsets = [0, 1], sizes = [1024, 1], strides = [1, 1]} : vector<1024x2xf32> to vector<1024x1xf32>
      %squeeze3A_1003 = vector.shape_cast %slice3A_1002 : vector<1024x1xf32> to vector<1024xf32>
      %add3A_1004 = arith.addf %squeeze3A, %squeeze3A_1003 : vector<1024xf32>
      %broadcast_in_dim3A_1005 = vector.shape_cast %add3A_1004 : vector<1024xf32> to vector<1024x1xf32>
      %swap3A_1006 = arith.constant 0 : index
      %swap3A_1007 = arith.constant 0 : index
      %swap3A_1008 = vector.load %arg4[%swap3A_1006, %swap3A_1007] : memref<1024x1xf32, #tpu.memory_space<vmem>>, vector<1024x1xf32>
      tpu.vector_store %arg4[%swap3A_1006, %swap3A_1007], %broadcast_in_dim3A_1005 {strides = array<i32>} : memref<1024x1xf32, #tpu.memory_space<vmem>>, vector<1024x1xf32>,
    } else {
    }
    %get3A = arith.constant 0 : index
    %get3A_2 = arith.constant 0 : index
    %get3A_3 = vector.load %arg1[%get3A, %get3A_2] : memref<512x256xf32, #tpu.memory_space<vmem>>, vector<512x256xf32>
    %get3A_4 = arith.constant 0 : index
    %get3A_5 = arith.constant 0 : index
    %get3A_6 = vector.load %arg4[%get3A_4, %get3A_5] : memref<1024x1xf32, #tpu.memory_space<vmem>>, vector<1024x1xf32>
    %iota3A = tpu.iota {dimensions = array<i32: 0>} : vector<128x128xi32>
    %get3A_7 = arith.constant 0 : index
    %get3A_8 = arith.constant 0 : index
    %get3A_9 = vector.load %arg2[%get3A_7, %get3A_8] : memref<1024x256xf32, #tpu.memory_space<vmem>>, vector<1024x256xf32>
    %slice3A = vector.extract_strided_slice %get3A_3 {offsets = [0, 0], sizes = [256, 256], strides = [1, 1]} : vector<512x256xf32> to vector<256x256xf32>
    %add3A = arith.addf %slice3A, %slice3A : vector<256x256xf32>
    %dot_general3A = arith.constant dense<0.000000e+00> : vector<1024x256xf32>
    %dot_general3A_10 = tpu.matmul %get3A_9, %add3A, %dot_general3A {dimension_numbers = #tpu.dot_dimension_numbers<[1], [1], [0], [0], [0, 0, 1, 0], [], []>, transpose_lhs_hint = false} : vector<1024x256xf32>, vector<256x256xf32>, vector<1024x256xf32> -> vector<1024x256xf32>
    %transpose3A = tpu.transpose %slice3A, [1, 0] : vector<256x256xf32> -> vector<256x256xf32>
    %mul3A = arith.mulf %transpose3A, %transpose3A : vector<256x256xf32>
    %slice3A_11 = vector.extract_strided_slice %mul3A {offsets = [0, 0], sizes = [128, 256], strides = [1, 1]} : vector<256x256xf32> to vector<128x256xf32>
    %slice3A_12 = vector.extract_strided_slice %mul3A {offsets = [128, 0], sizes = [128, 256], strides = [1, 1]} : vector<256x256xf32> to vector<128x256xf32>
    %add3A_13 = arith.addf %slice3A_11, %slice3A_12 : vector<128x256xf32>
    %slice3A_14 = vector.extract_strided_slice %add3A_13 {offsets = [0, 0], sizes = [8, 256], strides = [1, 1]} : vector<128x256xf32> to vector<8x256xf32>
    %slice3A_15 = vector.extract_strided_slice %add3A_13 {offsets = [8, 0], sizes = [8, 256], strides = [1, 1]} : vector<128x256xf32> to vector<8x256xf32>
    %add3A_16 = arith.addf %slice3A_14, %slice3A_15 : vector<8x256xf32>
    %slice3A_17 = vector.extract_strided_slice %add3A_13 {offsets = [16, 0], sizes = [8, 256], strides = [1, 1]} : vector<128x256xf32> to vector<8x256xf32>
    %add3A_18 = arith.addf %add3A_16, %slice3A_17 : vector<8x256xf32>
    %slice3A_19 = vector.extract_strided_slice %add3A_13 {offsets = [24, 0], sizes = [8, 256], strides = [1, 1]} : vector<128x256xf32> to vector<8x256xf32>
    %add3A_20 = arith.addf %add3A_18, %slice3A_19 : vector<8x256xf32>
    %slice3A_21 = vector.extract_strided_slice %add3A_13 {offsets = [32, 0], sizes = [8, 256], strides = [1, 1]} : vector<128x256xf32> to vector<8x256xf32>
    %add3A_22 = arith.addf %add3A_20, %slice3A_21 : vector<8x256xf32>
    %slice3A_23 = vector.extract_strided_slice %add3A_13 {offsets = [40, 0], sizes = [8, 256], strides = [1, 1]} : vector<128x256xf32> to vector<8x256xf32>
    %add3A_24 = arith.addf %add3A_22, %slice3A_23 : vector<8x256xf32>
    %slice3A_25 = vector.extract_strided_slice %add3A_13 {offsets = [48, 0], sizes = [8, 256], strides = [1, 1]} : vector<128x256xf32> to vector<8x256xf32>
    %add3A_26 = arith.addf %add3A_24, %slice3A_25 : vector<8x256xf32>
    %slice3A_27 = vector.extract_strided_slice %add3A_13 {offsets = [56, 0], sizes = [8, 256], strides = [1, 1]} : vector<128x256xf32> to vector<8x256xf32>
    %add3A_28 = arith.addf %add3A_26, %slice3A_27 : vector<8x256xf32>
    %slice3A_29 = vector.extract_strided_slice %add3A_13 {offsets = [64, 0], sizes = [8, 256], strides = [1, 1]} : vector<128x256xf32> to vector<8x256xf32>
    %add3A_30 = arith.addf %add3A_28, %slice3A_29 : vector<8x256xf32>
    %slice3A_31 = vector.extract_strided_slice %add3A_13 {offsets = [72, 0], sizes = [8, 256], strides = [1, 1]} : vector<128x256xf32> to vector<8x256xf32>
    %add3A_32 = arith.addf %add3A_30, %slice3A_31 : vector<8x256xf32>
    %slice3A_33 = vector.extract_strided_slice %add3A_13 {offsets = [80, 0], sizes = [8, 256], strides = [1, 1]} : vector<128x256xf32> to vector<8x256xf32>
    %add3A_34 = arith.addf %add3A_32, %slice3A_33 : vector<8x256xf32>
    %slice3A_35 = vector.extract_strided_slice %add3A_13 {offsets = [88, 0], sizes = [8, 256], strides = [1, 1]} : vector<128x256xf32> to vector<8x256xf32>
    %add3A_36 = arith.addf %add3A_34, %slice3A_35 : vector<8x256xf32>
    %slice3A_37 = vector.extract_strided_slice %add3A_13 {offsets = [96, 0], sizes = [8, 256], strides = [1, 1]} : vector<128x256xf32> to vector<8x256xf32>
    %add3A_38 = arith.addf %add3A_36, %slice3A_37 : vector<8x256xf32>
    %slice3A_39 = vector.extract_strided_slice %add3A_13 {offsets = [104, 0], sizes = [8, 256], strides = [1, 1]} : vector<128x256xf32> to vector<8x256xf32>
    %add3A_40 = arith.addf %add3A_38, %slice3A_39 : vector<8x256xf32>
    %slice3A_41 = vector.extract_strided_slice %add3A_13 {offsets = [112, 0], sizes = [8, 256], strides = [1, 1]} : vector<128x256xf32> to vector<8x256xf32>
    %add3A_42 = arith.addf %add3A_40, %slice3A_41 : vector<8x256xf32>
    %slice3A_43 = vector.extract_strided_slice %add3A_13 {offsets = [120, 0], sizes = [8, 256], strides = [1, 1]} : vector<128x256xf32> to vector<8x256xf32>
    %add3A_44 = arith.addf %add3A_42, %slice3A_43 : vector<8x256xf32>
    %slice3A_45 = vector.extract_strided_slice %add3A_44 {offsets = [0, 0], sizes = [4, 256], strides = [1, 1]} : vector<8x256xf32> to vector<4x256xf32>
    %slice3A_46 = vector.extract_strided_slice %add3A_44 {offsets = [4, 0], sizes = [4, 256], strides = [1, 1]} : vector<8x256xf32> to vector<4x256xf32>
    %add3A_47 = arith.addf %slice3A_45, %slice3A_46 : vector<4x256xf32>
    %slice3A_48 = vector.extract_strided_slice %add3A_47 {offsets = [0, 0], sizes = [2, 256], strides = [1, 1]} : vector<4x256xf32> to vector<2x256xf32>
    %slice3A_49 = vector.extract_strided_slice %add3A_47 {offsets = [2, 0], sizes = [2, 256], strides = [1, 1]} : vector<4x256xf32> to vector<2x256xf32>
    %add3A_50 = arith.addf %slice3A_48, %slice3A_49 : vector<2x256xf32>
    %slice3A_51 = vector.extract_strided_slice %add3A_50 {offsets = [0, 0], sizes = [1, 256], strides = [1, 1]} : vector<2x256xf32> to vector<1x256xf32>
    %slice3A_52 = vector.extract_strided_slice %add3A_50 {offsets = [1, 0], sizes = [1, 256], strides = [1, 1]} : vector<2x256xf32> to vector<1x256xf32>
    %add3A_53 = arith.addf %slice3A_51, %slice3A_52 : vector<1x256xf32>
    %slice3A_54 = vector.extract_strided_slice %add3A_53 {offsets = [0, 0], sizes = [1, 128], strides = [1, 1]} : vector<1x256xf32> to vector<1x128xf32>
    %slice3A_55 = vector.extract_strided_slice %dot_general3A_10 {offsets = [0, 0], sizes = [128, 128], strides = [1, 1]} : vector<1024x256xf32> to vector<128x128xf32>
    %sub3A = vector.broadcast %slice3A_54 : vector<1x128xf32> to vector<128x128xf32>
    %sub3A_56 = arith.subf %sub3A, %slice3A_55 : vector<128x128xf32>
    %slice3A_57 = vector.extract_strided_slice %get3A_6 {offsets = [0, 0], sizes = [128, 1], strides = [1, 1]} : vector<1024x1xf32> to vector<128x1xf32>
    %add3A_58 = vector.broadcast %slice3A_57 : vector<128x1xf32> to vector<128x128xf32>
    %add3A_59 = arith.addf %sub3A_56, %add3A_58 : vector<128x128xf32>
    %max3A = arith.constant 0.000000e+00 : f32
    %max3A_60 = vector.broadcast %max3A : f32 to vector<128x128xf32>
    %max3A_61 = arith.maximumf %add3A_59, %max3A_60 : vector<128x128xf32>
    %sqrt3A = math.sqrt %max3A_61 : vector<128x128xf32>
    %reduce_min3A = arith.constant dense<0x7F800000> : vector<128xf32>
    %reduce_min3A_62 = vector.multi_reduction <minimumf>, %sqrt3A, %reduce_min3A [0] : vector<128x128xf32> to vector<128xf32>
    %broadcast_in_dim3A = vector.shape_cast %reduce_min3A_62 : vector<128xf32> to vector<1x128xf32>
    %eq3A_63 = vector.broadcast %broadcast_in_dim3A : vector<1x128xf32> to vector<128x128xf32>
    %eq3A_64 = arith.cmpf oeq, %sqrt3A, %eq3A_63 : vector<128x128xf32>
    %jit3A = arith.constant 1024 : i32
    %broadcast_in_dim3A_65 = vector.broadcast %jit3A : i32 to vector<128x128xi32>
    %select_n3A = arith.select %eq3A_64, %iota3A, %broadcast_in_dim3A_65 : vector<128x128xi1>, vector<128x128xi32>
    %reduce_min3A_66 = arith.constant dense<2147483647> : vector<128xi32>
    %reduce_min3A_67 = vector.multi_reduction <minsi>, %select_n3A, %reduce_min3A_66 [0] : vector<128x128xi32> to vector<128xi32>
    %broadcast_in_dim3A_68 = vector.shape_cast %reduce_min3A_67 : vector<128xi32> to vector<1x128xi32>
    %add3A_69 = arith.constant 0 : i32
    %add3A_70 = vector.broadcast %add3A_69 : i32 to vector<1x128xi32>
    %add3A_71 = arith.addi %broadcast_in_dim3A_68, %add3A_70 : vector<1x128xi32>
    %slice3A_72 = vector.extract_strided_slice %dot_general3A_10 {offsets = [128, 0], sizes = [128, 128], strides = [1, 1]} : vector<1024x256xf32> to vector<128x128xf32>
    %sub3A_73 = vector.broadcast %slice3A_54 : vector<1x128xf32> to vector<128x128xf32>
    %sub3A_74 = arith.subf %sub3A_73, %slice3A_72 : vector<128x128xf32>
    %slice3A_75 = vector.extract_strided_slice %get3A_6 {offsets = [128, 0], sizes = [128, 1], strides = [1, 1]} : vector<1024x1xf32> to vector<128x1xf32>
    %add3A_76 = vector.broadcast %slice3A_75 : vector<128x1xf32> to vector<128x128xf32>
    %add3A_77 = arith.addf %sub3A_74, %add3A_76 : vector<128x128xf32>
    %max3A_78 = arith.constant 0.000000e+00 : f32
    %max3A_79 = vector.broadcast %max3A_78 : f32 to vector<128x128xf32>
    %max3A_80 = arith.maximumf %add3A_77, %max3A_79 : vector<128x128xf32>
    %sqrt3A_81 = math.sqrt %max3A_80 : vector<128x128xf32>
    %reduce_min3A_82 = arith.constant dense<0x7F800000> : vector<128xf32>
    %reduce_min3A_83 = vector.multi_reduction <minimumf>, %sqrt3A_81, %reduce_min3A_82 [0] : vector<128x128xf32> to vector<128xf32>
    %broadcast_in_dim3A_84 = vector.shape_cast %reduce_min3A_83 : vector<128xf32> to vector<1x128xf32>
    %eq3A_85 = vector.broadcast %broadcast_in_dim3A_84 : vector<1x128xf32> to vector<128x128xf32>
    %eq3A_86 = arith.cmpf oeq, %sqrt3A_81, %eq3A_85 : vector<128x128xf32>
    %jit3A_87 = arith.constant 1024 : i32
    %broadcast_in_dim3A_88 = vector.broadcast %jit3A_87 : i32 to vector<128x128xi32>
    %select_n3A_89 = arith.select %eq3A_86, %iota3A, %broadcast_in_dim3A_88 : vector<128x128xi1>, vector<128x128xi32>
    %reduce_min3A_90 = arith.constant dense<2147483647> : vector<128xi32>
    %reduce_min3A_91 = vector.multi_reduction <minsi>, %select_n3A_89, %reduce_min3A_90 [0] : vector<128x128xi32> to vector<128xi32>
    %broadcast_in_dim3A_92 = vector.shape_cast %reduce_min3A_91 : vector<128xi32> to vector<1x128xi32>
    %add3A_93 = arith.constant 128 : i32
    %add3A_94 = vector.broadcast %add3A_93 : i32 to vector<1x128xi32>
    %add3A_95 = arith.addi %broadcast_in_dim3A_92, %add3A_94 : vector<1x128xi32>
    %lt3A = arith.cmpf olt, %broadcast_in_dim3A_84, %broadcast_in_dim3A : vector<1x128xf32>
    %select_n3A_96 = arith.select %lt3A, %add3A_95, %add3A_71 : vector<1x128xi1>, vector<1x128xi32>
    %min3A = arith.minimumf %broadcast_in_dim3A, %broadcast_in_dim3A_84 : vector<1x128xf32>
    %slice3A_97 = vector.extract_strided_slice %dot_general3A_10 {offsets = [256, 0], sizes = [128, 128], strides = [1, 1]} : vector<1024x256xf32> to vector<128x128xf32>
    %sub3A_98 = vector.broadcast %slice3A_54 : vector<1x128xf32> to vector<128x128xf32>
    %sub3A_99 = arith.subf %sub3A_98, %slice3A_97 : vector<128x128xf32>
    %slice3A_100 = vector.extract_strided_slice %get3A_6 {offsets = [256, 0], sizes = [128, 1], strides = [1, 1]} : vector<1024x1xf32> to vector<128x1xf32>
    %add3A_101 = vector.broadcast %slice3A_100 : vector<128x1xf32> to vector<128x128xf32>
    %add3A_102 = arith.addf %sub3A_99, %add3A_101 : vector<128x128xf32>
    %max3A_103 = arith.constant 0.000000e+00 : f32
    %max3A_104 = vector.broadcast %max3A_103 : f32 to vector<128x128xf32>
    %max3A_105 = arith.maximumf %add3A_102, %max3A_104 : vector<128x128xf32>
    %sqrt3A_106 = math.sqrt %max3A_105 : vector<128x128xf32>
    %reduce_min3A_107 = arith.constant dense<0x7F800000> : vector<128xf32>
    %reduce_min3A_108 = vector.multi_reduction <minimumf>, %sqrt3A_106, %reduce_min3A_107 [0] : vector<128x128xf32> to vector<128xf32>
    %broadcast_in_dim3A_109 = vector.shape_cast %reduce_min3A_108 : vector<128xf32> to vector<1x128xf32>
    %eq3A_110 = vector.broadcast %broadcast_in_dim3A_109 : vector<1x128xf32> to vector<128x128xf32>
    %eq3A_111 = arith.cmpf oeq, %sqrt3A_106, %eq3A_110 : vector<128x128xf32>
    %jit3A_112 = arith.constant 1024 : i32
    %broadcast_in_dim3A_113 = vector.broadcast %jit3A_112 : i32 to vector<128x128xi32>
    %select_n3A_114 = arith.select %eq3A_111, %iota3A, %broadcast_in_dim3A_113 : vector<128x128xi1>, vector<128x128xi32>
    %reduce_min3A_115 = arith.constant dense<2147483647> : vector<128xi32>
    %reduce_min3A_116 = vector.multi_reduction <minsi>, %select_n3A_114, %reduce_min3A_115 [0] : vector<128x128xi32> to vector<128xi32>
    %broadcast_in_dim3A_117 = vector.shape_cast %reduce_min3A_116 : vector<128xi32> to vector<1x128xi32>
    %add3A_118 = arith.constant 256 : i32
    %add3A_119 = vector.broadcast %add3A_118 : i32 to vector<1x128xi32>
    %add3A_120 = arith.addi %broadcast_in_dim3A_117, %add3A_119 : vector<1x128xi32>
    %lt3A_121 = arith.cmpf olt, %broadcast_in_dim3A_109, %min3A : vector<1x128xf32>
    %select_n3A_122 = arith.select %lt3A_121, %add3A_120, %select_n3A_96 : vector<1x128xi1>, vector<1x128xi32>
    %min3A_123 = arith.minimumf %min3A, %broadcast_in_dim3A_109 : vector<1x128xf32>
    %slice3A_124 = vector.extract_strided_slice %dot_general3A_10 {offsets = [384, 0], sizes = [128, 128], strides = [1, 1]} : vector<1024x256xf32> to vector<128x128xf32>
    %sub3A_125 = vector.broadcast %slice3A_54 : vector<1x128xf32> to vector<128x128xf32>
    %sub3A_126 = arith.subf %sub3A_125, %slice3A_124 : vector<128x128xf32>
    %slice3A_127 = vector.extract_strided_slice %get3A_6 {offsets = [384, 0], sizes = [128, 1], strides = [1, 1]} : vector<1024x1xf32> to vector<128x1xf32>
    %add3A_128 = vector.broadcast %slice3A_127 : vector<128x1xf32> to vector<128x128xf32>
    %add3A_129 = arith.addf %sub3A_126, %add3A_128 : vector<128x128xf32>
    %max3A_130 = arith.constant 0.000000e+00 : f32
    %max3A_131 = vector.broadcast %max3A_130 : f32 to vector<128x128xf32>
    %max3A_132 = arith.maximumf %add3A_129, %max3A_131 : vector<128x128xf32>
    %sqrt3A_133 = math.sqrt %max3A_132 : vector<128x128xf32>
    %reduce_min3A_134 = arith.constant dense<0x7F800000> : vector<128xf32>
    %reduce_min3A_135 = vector.multi_reduction <minimumf>, %sqrt3A_133, %reduce_min3A_134 [0] : vector<128x128xf32> to vector<128xf32>
    %broadcast_in_dim3A_136 = vector.shape_cast %reduce_min3A_135 : vector<128xf32> to vector<1x128xf32>
    %eq3A_137 = vector.broadcast %broadcast_in_dim3A_136 : vector<1x128xf32> to vector<128x128xf32>
    %eq3A_138 = arith.cmpf oeq, %sqrt3A_133, %eq3A_137 : vector<128x128xf32>
    %jit3A_139 = arith.constant 1024 : i32
    %broadcast_in_dim3A_140 = vector.broadcast %jit3A_139 : i32 to vector<128x128xi32>
    %select_n3A_141 = arith.select %eq3A_138, %iota3A, %broadcast_in_dim3A_140 : vector<128x128xi1>, vector<128x128xi32>
    %reduce_min3A_142 = arith.constant dense<2147483647> : vector<128xi32>
    %reduce_min3A_143 = vector.multi_reduction <minsi>, %select_n3A_141, %reduce_min3A_142 [0] : vector<128x128xi32> to vector<128xi32>
    %broadcast_in_dim3A_144 = vector.shape_cast %reduce_min3A_143 : vector<128xi32> to vector<1x128xi32>
    %add3A_145 = arith.constant 384 : i32
    %add3A_146 = vector.broadcast %add3A_145 : i32 to vector<1x128xi32>
    %add3A_147 = arith.addi %broadcast_in_dim3A_144, %add3A_146 : vector<1x128xi32>
    %lt3A_148 = arith.cmpf olt, %broadcast_in_dim3A_136, %min3A_123 : vector<1x128xf32>
    %select_n3A_149 = arith.select %lt3A_148, %add3A_147, %select_n3A_122 : vector<1x128xi1>, vector<1x128xi32>
    %min3A_150 = arith.minimumf %min3A_123, %broadcast_in_dim3A_136 : vector<1x128xf32>
    %slice3A_151 = vector.extract_strided_slice %dot_general3A_10 {offsets = [512, 0], sizes = [128, 128], strides = [1, 1]} : vector<1024x256xf32> to vector<128x128xf32>
    %sub3A_152 = vector.broadcast %slice3A_54 : vector<1x128xf32> to vector<128x128xf32>
    %sub3A_153 = arith.subf %sub3A_152, %slice3A_151 : vector<128x128xf32>
    %slice3A_154 = vector.extract_strided_slice %get3A_6 {offsets = [512, 0], sizes = [128, 1], strides = [1, 1]} : vector<1024x1xf32> to vector<128x1xf32>
    %add3A_155 = vector.broadcast %slice3A_154 : vector<128x1xf32> to vector<128x128xf32>
    %add3A_156 = arith.addf %sub3A_153, %add3A_155 : vector<128x128xf32>
    %max3A_157 = arith.constant 0.000000e+00 : f32
    %max3A_158 = vector.broadcast %max3A_157 : f32 to vector<128x128xf32>
    %max3A_159 = arith.maximumf %add3A_156, %max3A_158 : vector<128x128xf32>
    %sqrt3A_160 = math.sqrt %max3A_159 : vector<128x128xf32>
    %reduce_min3A_161 = arith.constant dense<0x7F800000> : vector<128xf32>
    %reduce_min3A_162 = vector.multi_reduction <minimumf>, %sqrt3A_160, %reduce_min3A_161 [0] : vector<128x128xf32> to vector<128xf32>
    %broadcast_in_dim3A_163 = vector.shape_cast %reduce_min3A_162 : vector<128xf32> to vector<1x128xf32>
    %eq3A_164 = vector.broadcast %broadcast_in_dim3A_163 : vector<1x128xf32> to vector<128x128xf32>
    %eq3A_165 = arith.cmpf oeq, %sqrt3A_160, %eq3A_164 : vector<128x128xf32>
    %jit3A_166 = arith.constant 1024 : i32
    %broadcast_in_dim3A_167 = vector.broadcast %jit3A_166 : i32 to vector<128x128xi32>
    %select_n3A_168 = arith.select %eq3A_165, %iota3A, %broadcast_in_dim3A_167 : vector<128x128xi1>, vector<128x128xi32>
    %reduce_min3A_169 = arith.constant dense<2147483647> : vector<128xi32>
    %reduce_min3A_170 = vector.multi_reduction <minsi>, %select_n3A_168, %reduce_min3A_169 [0] : vector<128x128xi32> to vector<128xi32>
    %broadcast_in_dim3A_171 = vector.shape_cast %reduce_min3A_170 : vector<128xi32> to vector<1x128xi32>
    %add3A_172 = arith.constant 512 : i32
    %add3A_173 = vector.broadcast %add3A_172 : i32 to vector<1x128xi32>
    %add3A_174 = arith.addi %broadcast_in_dim3A_171, %add3A_173 : vector<1x128xi32>
    %lt3A_175 = arith.cmpf olt, %broadcast_in_dim3A_163, %min3A_150 : vector<1x128xf32>
    %select_n3A_176 = arith.select %lt3A_175, %add3A_174, %select_n3A_149 : vector<1x128xi1>, vector<1x128xi32>
    %min3A_177 = arith.minimumf %min3A_150, %broadcast_in_dim3A_163 : vector<1x128xf32>
    %slice3A_178 = vector.extract_strided_slice %dot_general3A_10 {offsets = [640, 0], sizes = [128, 128], strides = [1, 1]} : vector<1024x256xf32> to vector<128x128xf32>
    %sub3A_179 = vector.broadcast %slice3A_54 : vector<1x128xf32> to vector<128x128xf32>
    %sub3A_180 = arith.subf %sub3A_179, %slice3A_178 : vector<128x128xf32>
    %slice3A_181 = vector.extract_strided_slice %get3A_6 {offsets = [640, 0], sizes = [128, 1], strides = [1, 1]} : vector<1024x1xf32> to vector<128x1xf32>
    %add3A_182 = vector.broadcast %slice3A_181 : vector<128x1xf32> to vector<128x128xf32>
    %add3A_183 = arith.addf %sub3A_180, %add3A_182 : vector<128x128xf32>
    %max3A_184 = arith.constant 0.000000e+00 : f32
    %max3A_185 = vector.broadcast %max3A_184 : f32 to vector<128x128xf32>
    %max3A_186 = arith.maximumf %add3A_183, %max3A_185 : vector<128x128xf32>
    %sqrt3A_187 = math.sqrt %max3A_186 : vector<128x128xf32>
    %reduce_min3A_188 = arith.constant dense<0x7F800000> : vector<128xf32>
    %reduce_min3A_189 = vector.multi_reduction <minimumf>, %sqrt3A_187, %reduce_min3A_188 [0] : vector<128x128xf32> to vector<128xf32>
    %broadcast_in_dim3A_190 = vector.shape_cast %reduce_min3A_189 : vector<128xf32> to vector<1x128xf32>
    %eq3A_191 = vector.broadcast %broadcast_in_dim3A_190 : vector<1x128xf32> to vector<128x128xf32>
    %eq3A_192 = arith.cmpf oeq, %sqrt3A_187, %eq3A_191 : vector<128x128xf32>
    %jit3A_193 = arith.constant 1024 : i32
    %broadcast_in_dim3A_194 = vector.broadcast %jit3A_193 : i32 to vector<128x128xi32>
    %select_n3A_195 = arith.select %eq3A_192, %iota3A, %broadcast_in_dim3A_194 : vector<128x128xi1>, vector<128x128xi32>
    %reduce_min3A_196 = arith.constant dense<2147483647> : vector<128xi32>
    %reduce_min3A_197 = vector.multi_reduction <minsi>, %select_n3A_195, %reduce_min3A_196 [0] : vector<128x128xi32> to vector<128xi32>
    %broadcast_in_dim3A_198 = vector.shape_cast %reduce_min3A_197 : vector<128xi32> to vector<1x128xi32>
    %add3A_199 = arith.constant 640 : i32
    %add3A_200 = vector.broadcast %add3A_199 : i32 to vector<1x128xi32>
    %add3A_201 = arith.addi %broadcast_in_dim3A_198, %add3A_200 : vector<1x128xi32>
    %lt3A_202 = arith.cmpf olt, %broadcast_in_dim3A_190, %min3A_177 : vector<1x128xf32>
    %select_n3A_203 = arith.select %lt3A_202, %add3A_201, %select_n3A_176 : vector<1x128xi1>, vector<1x128xi32>
    %min3A_204 = arith.minimumf %min3A_177, %broadcast_in_dim3A_190 : vector<1x128xf32>
    %slice3A_205 = vector.extract_strided_slice %dot_general3A_10 {offsets = [768, 0], sizes = [128, 128], strides = [1, 1]} : vector<1024x256xf32> to vector<128x128xf32>
    %sub3A_206 = vector.broadcast %slice3A_54 : vector<1x128xf32> to vector<128x128xf32>
    %sub3A_207 = arith.subf %sub3A_206, %slice3A_205 : vector<128x128xf32>
    %slice3A_208 = vector.extract_strided_slice %get3A_6 {offsets = [768, 0], sizes = [128, 1], strides = [1, 1]} : vector<1024x1xf32> to vector<128x1xf32>
    %add3A_209 = vector.broadcast %slice3A_208 : vector<128x1xf32> to vector<128x128xf32>
    %add3A_210 = arith.addf %sub3A_207, %add3A_209 : vector<128x128xf32>
    %max3A_211 = arith.constant 0.000000e+00 : f32
    %max3A_212 = vector.broadcast %max3A_211 : f32 to vector<128x128xf32>
    %max3A_213 = arith.maximumf %add3A_210, %max3A_212 : vector<128x128xf32>
    %sqrt3A_214 = math.sqrt %max3A_213 : vector<128x128xf32>
    %reduce_min3A_215 = arith.constant dense<0x7F800000> : vector<128xf32>
    %reduce_min3A_216 = vector.multi_reduction <minimumf>, %sqrt3A_214, %reduce_min3A_215 [0] : vector<128x128xf32> to vector<128xf32>
    %broadcast_in_dim3A_217 = vector.shape_cast %reduce_min3A_216 : vector<128xf32> to vector<1x128xf32>
    %eq3A_218 = vector.broadcast %broadcast_in_dim3A_217 : vector<1x128xf32> to vector<128x128xf32>
    %eq3A_219 = arith.cmpf oeq, %sqrt3A_214, %eq3A_218 : vector<128x128xf32>
    %jit3A_220 = arith.constant 1024 : i32
    %broadcast_in_dim3A_221 = vector.broadcast %jit3A_220 : i32 to vector<128x128xi32>
    %select_n3A_222 = arith.select %eq3A_219, %iota3A, %broadcast_in_dim3A_221 : vector<128x128xi1>, vector<128x128xi32>
    %reduce_min3A_223 = arith.constant dense<2147483647> : vector<128xi32>
    %reduce_min3A_224 = vector.multi_reduction <minsi>, %select_n3A_222, %reduce_min3A_223 [0] : vector<128x128xi32> to vector<128xi32>
    %broadcast_in_dim3A_225 = vector.shape_cast %reduce_min3A_224 : vector<128xi32> to vector<1x128xi32>
    %add3A_226 = arith.constant 768 : i32
    %add3A_227 = vector.broadcast %add3A_226 : i32 to vector<1x128xi32>
    %add3A_228 = arith.addi %broadcast_in_dim3A_225, %add3A_227 : vector<1x128xi32>
    %lt3A_229 = arith.cmpf olt, %broadcast_in_dim3A_217, %min3A_204 : vector<1x128xf32>
    %select_n3A_230 = arith.select %lt3A_229, %add3A_228, %select_n3A_203 : vector<1x128xi1>, vector<1x128xi32>
    %min3A_231 = arith.minimumf %min3A_204, %broadcast_in_dim3A_217 : vector<1x128xf32>
    %slice3A_232 = vector.extract_strided_slice %dot_general3A_10 {offsets = [896, 0], sizes = [128, 128], strides = [1, 1]} : vector<1024x256xf32> to vector<128x128xf32>
    %sub3A_233 = vector.broadcast %slice3A_54 : vector<1x128xf32> to vector<128x128xf32>
    %sub3A_234 = arith.subf %sub3A_233, %slice3A_232 : vector<128x128xf32>
    %slice3A_235 = vector.extract_strided_slice %get3A_6 {offsets = [896, 0], sizes = [128, 1], strides = [1, 1]} : vector<1024x1xf32> to vector<128x1xf32>
    %add3A_236 = vector.broadcast %slice3A_235 : vector<128x1xf32> to vector<128x128xf32>
    %add3A_237 = arith.addf %sub3A_234, %add3A_236 : vector<128x128xf32>
    %max3A_238 = arith.constant 0.000000e+00 : f32
    %max3A_239 = vector.broadcast %max3A_238 : f32 to vector<128x128xf32>
    %max3A_240 = arith.maximumf %add3A_237, %max3A_239 : vector<128x128xf32>
    %sqrt3A_241 = math.sqrt %max3A_240 : vector<128x128xf32>
    %reduce_min3A_242 = arith.constant dense<0x7F800000> : vector<128xf32>
    %reduce_min3A_243 = vector.multi_reduction <minimumf>, %sqrt3A_241, %reduce_min3A_242 [0] : vector<128x128xf32> to vector<128xf32>
    %broadcast_in_dim3A_244 = vector.shape_cast %reduce_min3A_243 : vector<128xf32> to vector<1x128xf32>
    %eq3A_245 = vector.broadcast %broadcast_in_dim3A_244 : vector<1x128xf32> to vector<128x128xf32>
    %eq3A_246 = arith.cmpf oeq, %sqrt3A_241, %eq3A_245 : vector<128x128xf32>
    %jit3A_247 = arith.constant 1024 : i32
    %broadcast_in_dim3A_248 = vector.broadcast %jit3A_247 : i32 to vector<128x128xi32>
    %select_n3A_249 = arith.select %eq3A_246, %iota3A, %broadcast_in_dim3A_248 : vector<128x128xi1>, vector<128x128xi32>
    %reduce_min3A_250 = arith.constant dense<2147483647> : vector<128xi32>
    %reduce_min3A_251 = vector.multi_reduction <minsi>, %select_n3A_249, %reduce_min3A_250 [0] : vector<128x128xi32> to vector<128xi32>
    %broadcast_in_dim3A_252 = vector.shape_cast %reduce_min3A_251 : vector<128xi32> to vector<1x128xi32>
    %add3A_253 = arith.constant 896 : i32
    %add3A_254 = vector.broadcast %add3A_253 : i32 to vector<1x128xi32>
    %add3A_255 = arith.addi %broadcast_in_dim3A_252, %add3A_254 : vector<1x128xi32>
    %lt3A_256 = arith.cmpf olt, %broadcast_in_dim3A_244, %min3A_231 : vector<1x128xf32>
    %select_n3A_257 = arith.select %lt3A_256, %add3A_255, %select_n3A_230 : vector<1x128xi1>, vector<1x128xi32>
    %swap3A = arith.constant 0 : index
    %swap3A_258 = arith.constant 0 : index
    %swap3A_259 = vector.load %arg3[%swap3A, %swap3A_258] : memref<1x512xi32, #tpu.memory_space<vmem>>, vector<1x128xi32>
    tpu.vector_store %arg3[%swap3A, %swap3A_258], %select_n3A_257 {strides = array<i32>} : memref<1x512xi32, #tpu.memory_space<vmem>>, vector<1x128xi32>,
    %slice3A_260 = vector.extract_strided_slice %add3A_53 {offsets = [0, 128], sizes = [1, 128], strides = [1, 1]} : vector<1x256xf32> to vector<1x128xf32>
    %slice3A_261 = vector.extract_strided_slice %dot_general3A_10 {offsets = [0, 128], sizes = [128, 128], strides = [1, 1]} : vector<1024x256xf32> to vector<128x128xf32>
    %sub3A_262 = vector.broadcast %slice3A_260 : vector<1x128xf32> to vector<128x128xf32>
    %sub3A_263 = arith.subf %sub3A_262, %slice3A_261 : vector<128x128xf32>
    %slice3A_264 = vector.extract_strided_slice %get3A_6 {offsets = [0, 0], sizes = [128, 1], strides = [1, 1]} : vector<1024x1xf32> to vector<128x1xf32>
    %add3A_265 = vector.broadcast %slice3A_264 : vector<128x1xf32> to vector<128x128xf32>
    %add3A_266 = arith.addf %sub3A_263, %add3A_265 : vector<128x128xf32>
    %max3A_267 = arith.constant 0.000000e+00 : f32
    %max3A_268 = vector.broadcast %max3A_267 : f32 to vector<128x128xf32>
    %max3A_269 = arith.maximumf %add3A_266, %max3A_268 : vector<128x128xf32>
    %sqrt3A_270 = math.sqrt %max3A_269 : vector<128x128xf32>
    %reduce_min3A_271 = arith.constant dense<0x7F800000> : vector<128xf32>
    %reduce_min3A_272 = vector.multi_reduction <minimumf>, %sqrt3A_270, %reduce_min3A_271 [0] : vector<128x128xf32> to vector<128xf32>
    %broadcast_in_dim3A_273 = vector.shape_cast %reduce_min3A_272 : vector<128xf32> to vector<1x128xf32>
    %eq3A_274 = vector.broadcast %broadcast_in_dim3A_273 : vector<1x128xf32> to vector<128x128xf32>
    %eq3A_275 = arith.cmpf oeq, %sqrt3A_270, %eq3A_274 : vector<128x128xf32>
    %jit3A_276 = arith.constant 1024 : i32
    %broadcast_in_dim3A_277 = vector.broadcast %jit3A_276 : i32 to vector<128x128xi32>
    %select_n3A_278 = arith.select %eq3A_275, %iota3A, %broadcast_in_dim3A_277 : vector<128x128xi1>, vector<128x128xi32>
    %reduce_min3A_279 = arith.constant dense<2147483647> : vector<128xi32>
    %reduce_min3A_280 = vector.multi_reduction <minsi>, %select_n3A_278, %reduce_min3A_279 [0] : vector<128x128xi32> to vector<128xi32>
    %broadcast_in_dim3A_281 = vector.shape_cast %reduce_min3A_280 : vector<128xi32> to vector<1x128xi32>
    %add3A_282 = arith.constant 0 : i32
    %add3A_283 = vector.broadcast %add3A_282 : i32 to vector<1x128xi32>
    %add3A_284 = arith.addi %broadcast_in_dim3A_281, %add3A_283 : vector<1x128xi32>
    %slice3A_285 = vector.extract_strided_slice %dot_general3A_10 {offsets = [128, 128], sizes = [128, 128], strides = [1, 1]} : vector<1024x256xf32> to vector<128x128xf32>
    %sub3A_286 = vector.broadcast %slice3A_260 : vector<1x128xf32> to vector<128x128xf32>
    %sub3A_287 = arith.subf %sub3A_286, %slice3A_285 : vector<128x128xf32>
    %slice3A_288 = vector.extract_strided_slice %get3A_6 {offsets = [128, 0], sizes = [128, 1], strides = [1, 1]} : vector<1024x1xf32> to vector<128x1xf32>
    %add3A_289 = vector.broadcast %slice3A_288 : vector<128x1xf32> to vector<128x128xf32>
    %add3A_290 = arith.addf %sub3A_287, %add3A_289 : vector<128x128xf32>
    %max3A_291 = arith.constant 0.000000e+00 : f32
    %max3A_292 = vector.broadcast %max3A_291 : f32 to vector<128x128xf32>
    %max3A_293 = arith.maximumf %add3A_290, %max3A_292 : vector<128x128xf32>
    %sqrt3A_294 = math.sqrt %max3A_293 : vector<128x128xf32>
    %reduce_min3A_295 = arith.constant dense<0x7F800000> : vector<128xf32>
    %reduce_min3A_296 = vector.multi_reduction <minimumf>, %sqrt3A_294, %reduce_min3A_295 [0] : vector<128x128xf32> to vector<128xf32>
    %broadcast_in_dim3A_297 = vector.shape_cast %reduce_min3A_296 : vector<128xf32> to vector<1x128xf32>
    %eq3A_298 = vector.broadcast %broadcast_in_dim3A_297 : vector<1x128xf32> to vector<128x128xf32>
    %eq3A_299 = arith.cmpf oeq, %sqrt3A_294, %eq3A_298 : vector<128x128xf32>
    %jit3A_300 = arith.constant 1024 : i32
    %broadcast_in_dim3A_301 = vector.broadcast %jit3A_300 : i32 to vector<128x128xi32>
    %select_n3A_302 = arith.select %eq3A_299, %iota3A, %broadcast_in_dim3A_301 : vector<128x128xi1>, vector<128x128xi32>
    %reduce_min3A_303 = arith.constant dense<2147483647> : vector<128xi32>
    %reduce_min3A_304 = vector.multi_reduction <minsi>, %select_n3A_302, %reduce_min3A_303 [0] : vector<128x128xi32> to vector<128xi32>
    %broadcast_in_dim3A_305 = vector.shape_cast %reduce_min3A_304 : vector<128xi32> to vector<1x128xi32>
    %add3A_306 = arith.constant 128 : i32
    %add3A_307 = vector.broadcast %add3A_306 : i32 to vector<1x128xi32>
    %add3A_308 = arith.addi %broadcast_in_dim3A_305, %add3A_307 : vector<1x128xi32>
    %lt3A_309 = arith.cmpf olt, %broadcast_in_dim3A_297, %broadcast_in_dim3A_273 : vector<1x128xf32>
    %select_n3A_310 = arith.select %lt3A_309, %add3A_308, %add3A_284 : vector<1x128xi1>, vector<1x128xi32>
    %min3A_311 = arith.minimumf %broadcast_in_dim3A_273, %broadcast_in_dim3A_297 : vector<1x128xf32>
    %slice3A_312 = vector.extract_strided_slice %dot_general3A_10 {offsets = [256, 128], sizes = [128, 128], strides = [1, 1]} : vector<1024x256xf32> to vector<128x128xf32>
    %sub3A_313 = vector.broadcast %slice3A_260 : vector<1x128xf32> to vector<128x128xf32>
    %sub3A_314 = arith.subf %sub3A_313, %slice3A_312 : vector<128x128xf32>
    %slice3A_315 = vector.extract_strided_slice %get3A_6 {offsets = [256, 0], sizes = [128, 1], strides = [1, 1]} : vector<1024x1xf32> to vector<128x1xf32>
    %add3A_316 = vector.broadcast %slice3A_315 : vector<128x1xf32> to vector<128x128xf32>
    %add3A_317 = arith.addf %sub3A_314, %add3A_316 : vector<128x128xf32>
    %max3A_318 = arith.constant 0.000000e+00 : f32
    %max3A_319 = vector.broadcast %max3A_318 : f32 to vector<128x128xf32>
    %max3A_320 = arith.maximumf %add3A_317, %max3A_319 : vector<128x128xf32>
    %sqrt3A_321 = math.sqrt %max3A_320 : vector<128x128xf32>
    %reduce_min3A_322 = arith.constant dense<0x7F800000> : vector<128xf32>
    %reduce_min3A_323 = vector.multi_reduction <minimumf>, %sqrt3A_321, %reduce_min3A_322 [0] : vector<128x128xf32> to vector<128xf32>
    %broadcast_in_dim3A_324 = vector.shape_cast %reduce_min3A_323 : vector<128xf32> to vector<1x128xf32>
    %eq3A_325 = vector.broadcast %broadcast_in_dim3A_324 : vector<1x128xf32> to vector<128x128xf32>
    %eq3A_326 = arith.cmpf oeq, %sqrt3A_321, %eq3A_325 : vector<128x128xf32>
    %jit3A_327 = arith.constant 1024 : i32
    %broadcast_in_dim3A_328 = vector.broadcast %jit3A_327 : i32 to vector<128x128xi32>
    %select_n3A_329 = arith.select %eq3A_326, %iota3A, %broadcast_in_dim3A_328 : vector<128x128xi1>, vector<128x128xi32>
    %reduce_min3A_330 = arith.constant dense<2147483647> : vector<128xi32>
    %reduce_min3A_331 = vector.multi_reduction <minsi>, %select_n3A_329, %reduce_min3A_330 [0] : vector<128x128xi32> to vector<128xi32>
    %broadcast_in_dim3A_332 = vector.shape_cast %reduce_min3A_331 : vector<128xi32> to vector<1x128xi32>
    %add3A_333 = arith.constant 256 : i32
    %add3A_334 = vector.broadcast %add3A_333 : i32 to vector<1x128xi32>
    %add3A_335 = arith.addi %broadcast_in_dim3A_332, %add3A_334 : vector<1x128xi32>
    %lt3A_336 = arith.cmpf olt, %broadcast_in_dim3A_324, %min3A_311 : vector<1x128xf32>
    %select_n3A_337 = arith.select %lt3A_336, %add3A_335, %select_n3A_310 : vector<1x128xi1>, vector<1x128xi32>
    %min3A_338 = arith.minimumf %min3A_311, %broadcast_in_dim3A_324 : vector<1x128xf32>
    %slice3A_339 = vector.extract_strided_slice %dot_general3A_10 {offsets = [384, 128], sizes = [128, 128], strides = [1, 1]} : vector<1024x256xf32> to vector<128x128xf32>
    %sub3A_340 = vector.broadcast %slice3A_260 : vector<1x128xf32> to vector<128x128xf32>
    %sub3A_341 = arith.subf %sub3A_340, %slice3A_339 : vector<128x128xf32>
    %slice3A_342 = vector.extract_strided_slice %get3A_6 {offsets = [384, 0], sizes = [128, 1], strides = [1, 1]} : vector<1024x1xf32> to vector<128x1xf32>
    %add3A_343 = vector.broadcast %slice3A_342 : vector<128x1xf32> to vector<128x128xf32>
    %add3A_344 = arith.addf %sub3A_341, %add3A_343 : vector<128x128xf32>
    %max3A_345 = arith.constant 0.000000e+00 : f32
    %max3A_346 = vector.broadcast %max3A_345 : f32 to vector<128x128xf32>
    %max3A_347 = arith.maximumf %add3A_344, %max3A_346 : vector<128x128xf32>
    %sqrt3A_348 = math.sqrt %max3A_347 : vector<128x128xf32>
    %reduce_min3A_349 = arith.constant dense<0x7F800000> : vector<128xf32>
    %reduce_min3A_350 = vector.multi_reduction <minimumf>, %sqrt3A_348, %reduce_min3A_349 [0] : vector<128x128xf32> to vector<128xf32>
    %broadcast_in_dim3A_351 = vector.shape_cast %reduce_min3A_350 : vector<128xf32> to vector<1x128xf32>
    %eq3A_352 = vector.broadcast %broadcast_in_dim3A_351 : vector<1x128xf32> to vector<128x128xf32>
    %eq3A_353 = arith.cmpf oeq, %sqrt3A_348, %eq3A_352 : vector<128x128xf32>
    %jit3A_354 = arith.constant 1024 : i32
    %broadcast_in_dim3A_355 = vector.broadcast %jit3A_354 : i32 to vector<128x128xi32>
    %select_n3A_356 = arith.select %eq3A_353, %iota3A, %broadcast_in_dim3A_355 : vector<128x128xi1>, vector<128x128xi32>
    %reduce_min3A_357 = arith.constant dense<2147483647> : vector<128xi32>
    %reduce_min3A_358 = vector.multi_reduction <minsi>, %select_n3A_356, %reduce_min3A_357 [0] : vector<128x128xi32> to vector<128xi32>
    %broadcast_in_dim3A_359 = vector.shape_cast %reduce_min3A_358 : vector<128xi32> to vector<1x128xi32>
    %add3A_360 = arith.constant 384 : i32
    %add3A_361 = vector.broadcast %add3A_360 : i32 to vector<1x128xi32>
    %add3A_362 = arith.addi %broadcast_in_dim3A_359, %add3A_361 : vector<1x128xi32>
    %lt3A_363 = arith.cmpf olt, %broadcast_in_dim3A_351, %min3A_338 : vector<1x128xf32>
    %select_n3A_364 = arith.select %lt3A_363, %add3A_362, %select_n3A_337 : vector<1x128xi1>, vector<1x128xi32>
    %min3A_365 = arith.minimumf %min3A_338, %broadcast_in_dim3A_351 : vector<1x128xf32>
    %slice3A_366 = vector.extract_strided_slice %dot_general3A_10 {offsets = [512, 128], sizes = [128, 128], strides = [1, 1]} : vector<1024x256xf32> to vector<128x128xf32>
    %sub3A_367 = vector.broadcast %slice3A_260 : vector<1x128xf32> to vector<128x128xf32>
    %sub3A_368 = arith.subf %sub3A_367, %slice3A_366 : vector<128x128xf32>
    %slice3A_369 = vector.extract_strided_slice %get3A_6 {offsets = [512, 0], sizes = [128, 1], strides = [1, 1]} : vector<1024x1xf32> to vector<128x1xf32>
    %add3A_370 = vector.broadcast %slice3A_369 : vector<128x1xf32> to vector<128x128xf32>
    %add3A_371 = arith.addf %sub3A_368, %add3A_370 : vector<128x128xf32>
    %max3A_372 = arith.constant 0.000000e+00 : f32
    %max3A_373 = vector.broadcast %max3A_372 : f32 to vector<128x128xf32>
    %max3A_374 = arith.maximumf %add3A_371, %max3A_373 : vector<128x128xf32>
    %sqrt3A_375 = math.sqrt %max3A_374 : vector<128x128xf32>
    %reduce_min3A_376 = arith.constant dense<0x7F800000> : vector<128xf32>
    %reduce_min3A_377 = vector.multi_reduction <minimumf>, %sqrt3A_375, %reduce_min3A_376 [0] : vector<128x128xf32> to vector<128xf32>
    %broadcast_in_dim3A_378 = vector.shape_cast %reduce_min3A_377 : vector<128xf32> to vector<1x128xf32>
    %eq3A_379 = vector.broadcast %broadcast_in_dim3A_378 : vector<1x128xf32> to vector<128x128xf32>
    %eq3A_380 = arith.cmpf oeq, %sqrt3A_375, %eq3A_379 : vector<128x128xf32>
    %jit3A_381 = arith.constant 1024 : i32
    %broadcast_in_dim3A_382 = vector.broadcast %jit3A_381 : i32 to vector<128x128xi32>
    %select_n3A_383 = arith.select %eq3A_380, %iota3A, %broadcast_in_dim3A_382 : vector<128x128xi1>, vector<128x128xi32>
    %reduce_min3A_384 = arith.constant dense<2147483647> : vector<128xi32>
    %reduce_min3A_385 = vector.multi_reduction <minsi>, %select_n3A_383, %reduce_min3A_384 [0] : vector<128x128xi32> to vector<128xi32>
    %broadcast_in_dim3A_386 = vector.shape_cast %reduce_min3A_385 : vector<128xi32> to vector<1x128xi32>
    %add3A_387 = arith.constant 512 : i32
    %add3A_388 = vector.broadcast %add3A_387 : i32 to vector<1x128xi32>
    %add3A_389 = arith.addi %broadcast_in_dim3A_386, %add3A_388 : vector<1x128xi32>
    %lt3A_390 = arith.cmpf olt, %broadcast_in_dim3A_378, %min3A_365 : vector<1x128xf32>
    %select_n3A_391 = arith.select %lt3A_390, %add3A_389, %select_n3A_364 : vector<1x128xi1>, vector<1x128xi32>
    %min3A_392 = arith.minimumf %min3A_365, %broadcast_in_dim3A_378 : vector<1x128xf32>
    %slice3A_393 = vector.extract_strided_slice %dot_general3A_10 {offsets = [640, 128], sizes = [128, 128], strides = [1, 1]} : vector<1024x256xf32> to vector<128x128xf32>
    %sub3A_394 = vector.broadcast %slice3A_260 : vector<1x128xf32> to vector<128x128xf32>
    %sub3A_395 = arith.subf %sub3A_394, %slice3A_393 : vector<128x128xf32>
    %slice3A_396 = vector.extract_strided_slice %get3A_6 {offsets = [640, 0], sizes = [128, 1], strides = [1, 1]} : vector<1024x1xf32> to vector<128x1xf32>
    %add3A_397 = vector.broadcast %slice3A_396 : vector<128x1xf32> to vector<128x128xf32>
    %add3A_398 = arith.addf %sub3A_395, %add3A_397 : vector<128x128xf32>
    %max3A_399 = arith.constant 0.000000e+00 : f32
    %max3A_400 = vector.broadcast %max3A_399 : f32 to vector<128x128xf32>
    %max3A_401 = arith.maximumf %add3A_398, %max3A_400 : vector<128x128xf32>
    %sqrt3A_402 = math.sqrt %max3A_401 : vector<128x128xf32>
    %reduce_min3A_403 = arith.constant dense<0x7F800000> : vector<128xf32>
    %reduce_min3A_404 = vector.multi_reduction <minimumf>, %sqrt3A_402, %reduce_min3A_403 [0] : vector<128x128xf32> to vector<128xf32>
    %broadcast_in_dim3A_405 = vector.shape_cast %reduce_min3A_404 : vector<128xf32> to vector<1x128xf32>
    %eq3A_406 = vector.broadcast %broadcast_in_dim3A_405 : vector<1x128xf32> to vector<128x128xf32>
    %eq3A_407 = arith.cmpf oeq, %sqrt3A_402, %eq3A_406 : vector<128x128xf32>
    %jit3A_408 = arith.constant 1024 : i32
    %broadcast_in_dim3A_409 = vector.broadcast %jit3A_408 : i32 to vector<128x128xi32>
    %select_n3A_410 = arith.select %eq3A_407, %iota3A, %broadcast_in_dim3A_409 : vector<128x128xi1>, vector<128x128xi32>
    %reduce_min3A_411 = arith.constant dense<2147483647> : vector<128xi32>
    %reduce_min3A_412 = vector.multi_reduction <minsi>, %select_n3A_410, %reduce_min3A_411 [0] : vector<128x128xi32> to vector<128xi32>
    %broadcast_in_dim3A_413 = vector.shape_cast %reduce_min3A_412 : vector<128xi32> to vector<1x128xi32>
    %add3A_414 = arith.constant 640 : i32
    %add3A_415 = vector.broadcast %add3A_414 : i32 to vector<1x128xi32>
    %add3A_416 = arith.addi %broadcast_in_dim3A_413, %add3A_415 : vector<1x128xi32>
    %lt3A_417 = arith.cmpf olt, %broadcast_in_dim3A_405, %min3A_392 : vector<1x128xf32>
    %select_n3A_418 = arith.select %lt3A_417, %add3A_416, %select_n3A_391 : vector<1x128xi1>, vector<1x128xi32>
    %min3A_419 = arith.minimumf %min3A_392, %broadcast_in_dim3A_405 : vector<1x128xf32>
    %slice3A_420 = vector.extract_strided_slice %dot_general3A_10 {offsets = [768, 128], sizes = [128, 128], strides = [1, 1]} : vector<1024x256xf32> to vector<128x128xf32>
    %sub3A_421 = vector.broadcast %slice3A_260 : vector<1x128xf32> to vector<128x128xf32>
    %sub3A_422 = arith.subf %sub3A_421, %slice3A_420 : vector<128x128xf32>
    %slice3A_423 = vector.extract_strided_slice %get3A_6 {offsets = [768, 0], sizes = [128, 1], strides = [1, 1]} : vector<1024x1xf32> to vector<128x1xf32>
    %add3A_424 = vector.broadcast %slice3A_423 : vector<128x1xf32> to vector<128x128xf32>
    %add3A_425 = arith.addf %sub3A_422, %add3A_424 : vector<128x128xf32>
    %max3A_426 = arith.constant 0.000000e+00 : f32
    %max3A_427 = vector.broadcast %max3A_426 : f32 to vector<128x128xf32>
    %max3A_428 = arith.maximumf %add3A_425, %max3A_427 : vector<128x128xf32>
    %sqrt3A_429 = math.sqrt %max3A_428 : vector<128x128xf32>
    %reduce_min3A_430 = arith.constant dense<0x7F800000> : vector<128xf32>
    %reduce_min3A_431 = vector.multi_reduction <minimumf>, %sqrt3A_429, %reduce_min3A_430 [0] : vector<128x128xf32> to vector<128xf32>
    %broadcast_in_dim3A_432 = vector.shape_cast %reduce_min3A_431 : vector<128xf32> to vector<1x128xf32>
    %eq3A_433 = vector.broadcast %broadcast_in_dim3A_432 : vector<1x128xf32> to vector<128x128xf32>
    %eq3A_434 = arith.cmpf oeq, %sqrt3A_429, %eq3A_433 : vector<128x128xf32>
    %jit3A_435 = arith.constant 1024 : i32
    %broadcast_in_dim3A_436 = vector.broadcast %jit3A_435 : i32 to vector<128x128xi32>
    %select_n3A_437 = arith.select %eq3A_434, %iota3A, %broadcast_in_dim3A_436 : vector<128x128xi1>, vector<128x128xi32>
    %reduce_min3A_438 = arith.constant dense<2147483647> : vector<128xi32>
    %reduce_min3A_439 = vector.multi_reduction <minsi>, %select_n3A_437, %reduce_min3A_438 [0] : vector<128x128xi32> to vector<128xi32>
    %broadcast_in_dim3A_440 = vector.shape_cast %reduce_min3A_439 : vector<128xi32> to vector<1x128xi32>
    %add3A_441 = arith.constant 768 : i32
    %add3A_442 = vector.broadcast %add3A_441 : i32 to vector<1x128xi32>
    %add3A_443 = arith.addi %broadcast_in_dim3A_440, %add3A_442 : vector<1x128xi32>
    %lt3A_444 = arith.cmpf olt, %broadcast_in_dim3A_432, %min3A_419 : vector<1x128xf32>
    %select_n3A_445 = arith.select %lt3A_444, %add3A_443, %select_n3A_418 : vector<1x128xi1>, vector<1x128xi32>
    %min3A_446 = arith.minimumf %min3A_419, %broadcast_in_dim3A_432 : vector<1x128xf32>
    %slice3A_447 = vector.extract_strided_slice %dot_general3A_10 {offsets = [896, 128], sizes = [128, 128], strides = [1, 1]} : vector<1024x256xf32> to vector<128x128xf32>
    %sub3A_448 = vector.broadcast %slice3A_260 : vector<1x128xf32> to vector<128x128xf32>
    %sub3A_449 = arith.subf %sub3A_448, %slice3A_447 : vector<128x128xf32>
    %slice3A_450 = vector.extract_strided_slice %get3A_6 {offsets = [896, 0], sizes = [128, 1], strides = [1, 1]} : vector<1024x1xf32> to vector<128x1xf32>
    %add3A_451 = vector.broadcast %slice3A_450 : vector<128x1xf32> to vector<128x128xf32>
    %add3A_452 = arith.addf %sub3A_449, %add3A_451 : vector<128x128xf32>
    %max3A_453 = arith.constant 0.000000e+00 : f32
    %max3A_454 = vector.broadcast %max3A_453 : f32 to vector<128x128xf32>
    %max3A_455 = arith.maximumf %add3A_452, %max3A_454 : vector<128x128xf32>
    %sqrt3A_456 = math.sqrt %max3A_455 : vector<128x128xf32>
    %reduce_min3A_457 = arith.constant dense<0x7F800000> : vector<128xf32>
    %reduce_min3A_458 = vector.multi_reduction <minimumf>, %sqrt3A_456, %reduce_min3A_457 [0] : vector<128x128xf32> to vector<128xf32>
    %broadcast_in_dim3A_459 = vector.shape_cast %reduce_min3A_458 : vector<128xf32> to vector<1x128xf32>
    %eq3A_460 = vector.broadcast %broadcast_in_dim3A_459 : vector<1x128xf32> to vector<128x128xf32>
    %eq3A_461 = arith.cmpf oeq, %sqrt3A_456, %eq3A_460 : vector<128x128xf32>
    %jit3A_462 = arith.constant 1024 : i32
    %broadcast_in_dim3A_463 = vector.broadcast %jit3A_462 : i32 to vector<128x128xi32>
    %select_n3A_464 = arith.select %eq3A_461, %iota3A, %broadcast_in_dim3A_463 : vector<128x128xi1>, vector<128x128xi32>
    %reduce_min3A_465 = arith.constant dense<2147483647> : vector<128xi32>
    %reduce_min3A_466 = vector.multi_reduction <minsi>, %select_n3A_464, %reduce_min3A_465 [0] : vector<128x128xi32> to vector<128xi32>
    %broadcast_in_dim3A_467 = vector.shape_cast %reduce_min3A_466 : vector<128xi32> to vector<1x128xi32>
    %add3A_468 = arith.constant 896 : i32
    %add3A_469 = vector.broadcast %add3A_468 : i32 to vector<1x128xi32>
    %add3A_470 = arith.addi %broadcast_in_dim3A_467, %add3A_469 : vector<1x128xi32>
    %lt3A_471 = arith.cmpf olt, %broadcast_in_dim3A_459, %min3A_446 : vector<1x128xf32>
    %select_n3A_472 = arith.select %lt3A_471, %add3A_470, %select_n3A_445 : vector<1x128xi1>, vector<1x128xi32>
    %swap3A_473 = arith.constant 0 : index
    %swap3A_474 = arith.constant 128 : index
    %swap3A_475 = vector.load %arg3[%swap3A_473, %swap3A_474] : memref<1x512xi32, #tpu.memory_space<vmem>>, vector<1x128xi32>
    tpu.vector_store %arg3[%swap3A_473, %swap3A_474], %select_n3A_472 {strides = array<i32>} : memref<1x512xi32, #tpu.memory_space<vmem>>, vector<1x128xi32>,
    %slice3A_476 = vector.extract_strided_slice %get3A_3 {offsets = [256, 0], sizes = [256, 256], strides = [1, 1]} : vector<512x256xf32> to vector<256x256xf32>
    %add3A_477 = arith.addf %slice3A_476, %slice3A_476 : vector<256x256xf32>
    %dot_general3A_478 = arith.constant dense<0.000000e+00> : vector<1024x256xf32>
    %dot_general3A_479 = tpu.matmul %get3A_9, %add3A_477, %dot_general3A_478 {dimension_numbers = #tpu.dot_dimension_numbers<[1], [1], [0], [0], [0, 0, 1, 0], [], []>, transpose_lhs_hint = false} : vector<1024x256xf32>, vector<256x256xf32>, vector<1024x256xf32> -> vector<1024x256xf32>
    %transpose3A_480 = tpu.transpose %slice3A_476, [1, 0] : vector<256x256xf32> -> vector<256x256xf32>
    %mul3A_481 = arith.mulf %transpose3A_480, %transpose3A_480 : vector<256x256xf32>
    %slice3A_482 = vector.extract_strided_slice %mul3A_481 {offsets = [0, 0], sizes = [128, 256], strides = [1, 1]} : vector<256x256xf32> to vector<128x256xf32>
    %slice3A_483 = vector.extract_strided_slice %mul3A_481 {offsets = [128, 0], sizes = [128, 256], strides = [1, 1]} : vector<256x256xf32> to vector<128x256xf32>
    %add3A_484 = arith.addf %slice3A_482, %slice3A_483 : vector<128x256xf32>
    %slice3A_485 = vector.extract_strided_slice %add3A_484 {offsets = [0, 0], sizes = [8, 256], strides = [1, 1]} : vector<128x256xf32> to vector<8x256xf32>
    %slice3A_486 = vector.extract_strided_slice %add3A_484 {offsets = [8, 0], sizes = [8, 256], strides = [1, 1]} : vector<128x256xf32> to vector<8x256xf32>
    %add3A_487 = arith.addf %slice3A_485, %slice3A_486 : vector<8x256xf32>
    %slice3A_488 = vector.extract_strided_slice %add3A_484 {offsets = [16, 0], sizes = [8, 256], strides = [1, 1]} : vector<128x256xf32> to vector<8x256xf32>
    %add3A_489 = arith.addf %add3A_487, %slice3A_488 : vector<8x256xf32>
    %slice3A_490 = vector.extract_strided_slice %add3A_484 {offsets = [24, 0], sizes = [8, 256], strides = [1, 1]} : vector<128x256xf32> to vector<8x256xf32>
    %add3A_491 = arith.addf %add3A_489, %slice3A_490 : vector<8x256xf32>
    %slice3A_492 = vector.extract_strided_slice %add3A_484 {offsets = [32, 0], sizes = [8, 256], strides = [1, 1]} : vector<128x256xf32> to vector<8x256xf32>
    %add3A_493 = arith.addf %add3A_491, %slice3A_492 : vector<8x256xf32>
    %slice3A_494 = vector.extract_strided_slice %add3A_484 {offsets = [40, 0], sizes = [8, 256], strides = [1, 1]} : vector<128x256xf32> to vector<8x256xf32>
    %add3A_495 = arith.addf %add3A_493, %slice3A_494 : vector<8x256xf32>
    %slice3A_496 = vector.extract_strided_slice %add3A_484 {offsets = [48, 0], sizes = [8, 256], strides = [1, 1]} : vector<128x256xf32> to vector<8x256xf32>
    %add3A_497 = arith.addf %add3A_495, %slice3A_496 : vector<8x256xf32>
    %slice3A_498 = vector.extract_strided_slice %add3A_484 {offsets = [56, 0], sizes = [8, 256], strides = [1, 1]} : vector<128x256xf32> to vector<8x256xf32>
    %add3A_499 = arith.addf %add3A_497, %slice3A_498 : vector<8x256xf32>
    %slice3A_500 = vector.extract_strided_slice %add3A_484 {offsets = [64, 0], sizes = [8, 256], strides = [1, 1]} : vector<128x256xf32> to vector<8x256xf32>
    %add3A_501 = arith.addf %add3A_499, %slice3A_500 : vector<8x256xf32>
    %slice3A_502 = vector.extract_strided_slice %add3A_484 {offsets = [72, 0], sizes = [8, 256], strides = [1, 1]} : vector<128x256xf32> to vector<8x256xf32>
    %add3A_503 = arith.addf %add3A_501, %slice3A_502 : vector<8x256xf32>
    %slice3A_504 = vector.extract_strided_slice %add3A_484 {offsets = [80, 0], sizes = [8, 256], strides = [1, 1]} : vector<128x256xf32> to vector<8x256xf32>
    %add3A_505 = arith.addf %add3A_503, %slice3A_504 : vector<8x256xf32>
    %slice3A_506 = vector.extract_strided_slice %add3A_484 {offsets = [88, 0], sizes = [8, 256], strides = [1, 1]} : vector<128x256xf32> to vector<8x256xf32>
    %add3A_507 = arith.addf %add3A_505, %slice3A_506 : vector<8x256xf32>
    %slice3A_508 = vector.extract_strided_slice %add3A_484 {offsets = [96, 0], sizes = [8, 256], strides = [1, 1]} : vector<128x256xf32> to vector<8x256xf32>
    %add3A_509 = arith.addf %add3A_507, %slice3A_508 : vector<8x256xf32>
    %slice3A_510 = vector.extract_strided_slice %add3A_484 {offsets = [104, 0], sizes = [8, 256], strides = [1, 1]} : vector<128x256xf32> to vector<8x256xf32>
    %add3A_511 = arith.addf %add3A_509, %slice3A_510 : vector<8x256xf32>
    %slice3A_512 = vector.extract_strided_slice %add3A_484 {offsets = [112, 0], sizes = [8, 256], strides = [1, 1]} : vector<128x256xf32> to vector<8x256xf32>
    %add3A_513 = arith.addf %add3A_511, %slice3A_512 : vector<8x256xf32>
    %slice3A_514 = vector.extract_strided_slice %add3A_484 {offsets = [120, 0], sizes = [8, 256], strides = [1, 1]} : vector<128x256xf32> to vector<8x256xf32>
    %add3A_515 = arith.addf %add3A_513, %slice3A_514 : vector<8x256xf32>
    %slice3A_516 = vector.extract_strided_slice %add3A_515 {offsets = [0, 0], sizes = [4, 256], strides = [1, 1]} : vector<8x256xf32> to vector<4x256xf32>
    %slice3A_517 = vector.extract_strided_slice %add3A_515 {offsets = [4, 0], sizes = [4, 256], strides = [1, 1]} : vector<8x256xf32> to vector<4x256xf32>
    %add3A_518 = arith.addf %slice3A_516, %slice3A_517 : vector<4x256xf32>
    %slice3A_519 = vector.extract_strided_slice %add3A_518 {offsets = [0, 0], sizes = [2, 256], strides = [1, 1]} : vector<4x256xf32> to vector<2x256xf32>
    %slice3A_520 = vector.extract_strided_slice %add3A_518 {offsets = [2, 0], sizes = [2, 256], strides = [1, 1]} : vector<4x256xf32> to vector<2x256xf32>
    %add3A_521 = arith.addf %slice3A_519, %slice3A_520 : vector<2x256xf32>
    %slice3A_522 = vector.extract_strided_slice %add3A_521 {offsets = [0, 0], sizes = [1, 256], strides = [1, 1]} : vector<2x256xf32> to vector<1x256xf32>
    %slice3A_523 = vector.extract_strided_slice %add3A_521 {offsets = [1, 0], sizes = [1, 256], strides = [1, 1]} : vector<2x256xf32> to vector<1x256xf32>
    %add3A_524 = arith.addf %slice3A_522, %slice3A_523 : vector<1x256xf32>
    %slice3A_525 = vector.extract_strided_slice %add3A_524 {offsets = [0, 0], sizes = [1, 128], strides = [1, 1]} : vector<1x256xf32> to vector<1x128xf32>
    %slice3A_526 = vector.extract_strided_slice %dot_general3A_479 {offsets = [0, 0], sizes = [128, 128], strides = [1, 1]} : vector<1024x256xf32> to vector<128x128xf32>
    %sub3A_527 = vector.broadcast %slice3A_525 : vector<1x128xf32> to vector<128x128xf32>
    %sub3A_528 = arith.subf %sub3A_527, %slice3A_526 : vector<128x128xf32>
    %slice3A_529 = vector.extract_strided_slice %get3A_6 {offsets = [0, 0], sizes = [128, 1], strides = [1, 1]} : vector<1024x1xf32> to vector<128x1xf32>
    %add3A_530 = vector.broadcast %slice3A_529 : vector<128x1xf32> to vector<128x128xf32>
    %add3A_531 = arith.addf %sub3A_528, %add3A_530 : vector<128x128xf32>
    %max3A_532 = arith.constant 0.000000e+00 : f32
    %max3A_533 = vector.broadcast %max3A_532 : f32 to vector<128x128xf32>
    %max3A_534 = arith.maximumf %add3A_531, %max3A_533 : vector<128x128xf32>
    %sqrt3A_535 = math.sqrt %max3A_534 : vector<128x128xf32>
    %reduce_min3A_536 = arith.constant dense<0x7F800000> : vector<128xf32>
    %reduce_min3A_537 = vector.multi_reduction <minimumf>, %sqrt3A_535, %reduce_min3A_536 [0] : vector<128x128xf32> to vector<128xf32>
    %broadcast_in_dim3A_538 = vector.shape_cast %reduce_min3A_537 : vector<128xf32> to vector<1x128xf32>
    %eq3A_539 = vector.broadcast %broadcast_in_dim3A_538 : vector<1x128xf32> to vector<128x128xf32>
    %eq3A_540 = arith.cmpf oeq, %sqrt3A_535, %eq3A_539 : vector<128x128xf32>
    %jit3A_541 = arith.constant 1024 : i32
    %broadcast_in_dim3A_542 = vector.broadcast %jit3A_541 : i32 to vector<128x128xi32>
    %select_n3A_543 = arith.select %eq3A_540, %iota3A, %broadcast_in_dim3A_542 : vector<128x128xi1>, vector<128x128xi32>
    %reduce_min3A_544 = arith.constant dense<2147483647> : vector<128xi32>
    %reduce_min3A_545 = vector.multi_reduction <minsi>, %select_n3A_543, %reduce_min3A_544 [0] : vector<128x128xi32> to vector<128xi32>
    %broadcast_in_dim3A_546 = vector.shape_cast %reduce_min3A_545 : vector<128xi32> to vector<1x128xi32>
    %add3A_547 = arith.constant 0 : i32
    %add3A_548 = vector.broadcast %add3A_547 : i32 to vector<1x128xi32>
    %add3A_549 = arith.addi %broadcast_in_dim3A_546, %add3A_548 : vector<1x128xi32>
    %slice3A_550 = vector.extract_strided_slice %dot_general3A_479 {offsets = [128, 0], sizes = [128, 128], strides = [1, 1]} : vector<1024x256xf32> to vector<128x128xf32>
    %sub3A_551 = vector.broadcast %slice3A_525 : vector<1x128xf32> to vector<128x128xf32>
    %sub3A_552 = arith.subf %sub3A_551, %slice3A_550 : vector<128x128xf32>
    %slice3A_553 = vector.extract_strided_slice %get3A_6 {offsets = [128, 0], sizes = [128, 1], strides = [1, 1]} : vector<1024x1xf32> to vector<128x1xf32>
    %add3A_554 = vector.broadcast %slice3A_553 : vector<128x1xf32> to vector<128x128xf32>
    %add3A_555 = arith.addf %sub3A_552, %add3A_554 : vector<128x128xf32>
    %max3A_556 = arith.constant 0.000000e+00 : f32
    %max3A_557 = vector.broadcast %max3A_556 : f32 to vector<128x128xf32>
    %max3A_558 = arith.maximumf %add3A_555, %max3A_557 : vector<128x128xf32>
    %sqrt3A_559 = math.sqrt %max3A_558 : vector<128x128xf32>
    %reduce_min3A_560 = arith.constant dense<0x7F800000> : vector<128xf32>
    %reduce_min3A_561 = vector.multi_reduction <minimumf>, %sqrt3A_559, %reduce_min3A_560 [0] : vector<128x128xf32> to vector<128xf32>
    %broadcast_in_dim3A_562 = vector.shape_cast %reduce_min3A_561 : vector<128xf32> to vector<1x128xf32>
    %eq3A_563 = vector.broadcast %broadcast_in_dim3A_562 : vector<1x128xf32> to vector<128x128xf32>
    %eq3A_564 = arith.cmpf oeq, %sqrt3A_559, %eq3A_563 : vector<128x128xf32>
    %jit3A_565 = arith.constant 1024 : i32
    %broadcast_in_dim3A_566 = vector.broadcast %jit3A_565 : i32 to vector<128x128xi32>
    %select_n3A_567 = arith.select %eq3A_564, %iota3A, %broadcast_in_dim3A_566 : vector<128x128xi1>, vector<128x128xi32>
    %reduce_min3A_568 = arith.constant dense<2147483647> : vector<128xi32>
    %reduce_min3A_569 = vector.multi_reduction <minsi>, %select_n3A_567, %reduce_min3A_568 [0] : vector<128x128xi32> to vector<128xi32>
    %broadcast_in_dim3A_570 = vector.shape_cast %reduce_min3A_569 : vector<128xi32> to vector<1x128xi32>
    %add3A_571 = arith.constant 128 : i32
    %add3A_572 = vector.broadcast %add3A_571 : i32 to vector<1x128xi32>
    %add3A_573 = arith.addi %broadcast_in_dim3A_570, %add3A_572 : vector<1x128xi32>
    %lt3A_574 = arith.cmpf olt, %broadcast_in_dim3A_562, %broadcast_in_dim3A_538 : vector<1x128xf32>
    %select_n3A_575 = arith.select %lt3A_574, %add3A_573, %add3A_549 : vector<1x128xi1>, vector<1x128xi32>
    %min3A_576 = arith.minimumf %broadcast_in_dim3A_538, %broadcast_in_dim3A_562 : vector<1x128xf32>
    %slice3A_577 = vector.extract_strided_slice %dot_general3A_479 {offsets = [256, 0], sizes = [128, 128], strides = [1, 1]} : vector<1024x256xf32> to vector<128x128xf32>
    %sub3A_578 = vector.broadcast %slice3A_525 : vector<1x128xf32> to vector<128x128xf32>
    %sub3A_579 = arith.subf %sub3A_578, %slice3A_577 : vector<128x128xf32>
    %slice3A_580 = vector.extract_strided_slice %get3A_6 {offsets = [256, 0], sizes = [128, 1], strides = [1, 1]} : vector<1024x1xf32> to vector<128x1xf32>
    %add3A_581 = vector.broadcast %slice3A_580 : vector<128x1xf32> to vector<128x128xf32>
    %add3A_582 = arith.addf %sub3A_579, %add3A_581 : vector<128x128xf32>
    %max3A_583 = arith.constant 0.000000e+00 : f32
    %max3A_584 = vector.broadcast %max3A_583 : f32 to vector<128x128xf32>
    %max3A_585 = arith.maximumf %add3A_582, %max3A_584 : vector<128x128xf32>
    %sqrt3A_586 = math.sqrt %max3A_585 : vector<128x128xf32>
    %reduce_min3A_587 = arith.constant dense<0x7F800000> : vector<128xf32>
    %reduce_min3A_588 = vector.multi_reduction <minimumf>, %sqrt3A_586, %reduce_min3A_587 [0] : vector<128x128xf32> to vector<128xf32>
    %broadcast_in_dim3A_589 = vector.shape_cast %reduce_min3A_588 : vector<128xf32> to vector<1x128xf32>
    %eq3A_590 = vector.broadcast %broadcast_in_dim3A_589 : vector<1x128xf32> to vector<128x128xf32>
    %eq3A_591 = arith.cmpf oeq, %sqrt3A_586, %eq3A_590 : vector<128x128xf32>
    %jit3A_592 = arith.constant 1024 : i32
    %broadcast_in_dim3A_593 = vector.broadcast %jit3A_592 : i32 to vector<128x128xi32>
    %select_n3A_594 = arith.select %eq3A_591, %iota3A, %broadcast_in_dim3A_593 : vector<128x128xi1>, vector<128x128xi32>
    %reduce_min3A_595 = arith.constant dense<2147483647> : vector<128xi32>
    %reduce_min3A_596 = vector.multi_reduction <minsi>, %select_n3A_594, %reduce_min3A_595 [0] : vector<128x128xi32> to vector<128xi32>
    %broadcast_in_dim3A_597 = vector.shape_cast %reduce_min3A_596 : vector<128xi32> to vector<1x128xi32>
    %add3A_598 = arith.constant 256 : i32
    %add3A_599 = vector.broadcast %add3A_598 : i32 to vector<1x128xi32>
    %add3A_600 = arith.addi %broadcast_in_dim3A_597, %add3A_599 : vector<1x128xi32>
    %lt3A_601 = arith.cmpf olt, %broadcast_in_dim3A_589, %min3A_576 : vector<1x128xf32>
    %select_n3A_602 = arith.select %lt3A_601, %add3A_600, %select_n3A_575 : vector<1x128xi1>, vector<1x128xi32>
    %min3A_603 = arith.minimumf %min3A_576, %broadcast_in_dim3A_589 : vector<1x128xf32>
    %slice3A_604 = vector.extract_strided_slice %dot_general3A_479 {offsets = [384, 0], sizes = [128, 128], strides = [1, 1]} : vector<1024x256xf32> to vector<128x128xf32>
    %sub3A_605 = vector.broadcast %slice3A_525 : vector<1x128xf32> to vector<128x128xf32>
    %sub3A_606 = arith.subf %sub3A_605, %slice3A_604 : vector<128x128xf32>
    %slice3A_607 = vector.extract_strided_slice %get3A_6 {offsets = [384, 0], sizes = [128, 1], strides = [1, 1]} : vector<1024x1xf32> to vector<128x1xf32>
    %add3A_608 = vector.broadcast %slice3A_607 : vector<128x1xf32> to vector<128x128xf32>
    %add3A_609 = arith.addf %sub3A_606, %add3A_608 : vector<128x128xf32>
    %max3A_610 = arith.constant 0.000000e+00 : f32
    %max3A_611 = vector.broadcast %max3A_610 : f32 to vector<128x128xf32>
    %max3A_612 = arith.maximumf %add3A_609, %max3A_611 : vector<128x128xf32>
    %sqrt3A_613 = math.sqrt %max3A_612 : vector<128x128xf32>
    %reduce_min3A_614 = arith.constant dense<0x7F800000> : vector<128xf32>
    %reduce_min3A_615 = vector.multi_reduction <minimumf>, %sqrt3A_613, %reduce_min3A_614 [0] : vector<128x128xf32> to vector<128xf32>
    %broadcast_in_dim3A_616 = vector.shape_cast %reduce_min3A_615 : vector<128xf32> to vector<1x128xf32>
    %eq3A_617 = vector.broadcast %broadcast_in_dim3A_616 : vector<1x128xf32> to vector<128x128xf32>
    %eq3A_618 = arith.cmpf oeq, %sqrt3A_613, %eq3A_617 : vector<128x128xf32>
    %jit3A_619 = arith.constant 1024 : i32
    %broadcast_in_dim3A_620 = vector.broadcast %jit3A_619 : i32 to vector<128x128xi32>
    %select_n3A_621 = arith.select %eq3A_618, %iota3A, %broadcast_in_dim3A_620 : vector<128x128xi1>, vector<128x128xi32>
    %reduce_min3A_622 = arith.constant dense<2147483647> : vector<128xi32>
    %reduce_min3A_623 = vector.multi_reduction <minsi>, %select_n3A_621, %reduce_min3A_622 [0] : vector<128x128xi32> to vector<128xi32>
    %broadcast_in_dim3A_624 = vector.shape_cast %reduce_min3A_623 : vector<128xi32> to vector<1x128xi32>
    %add3A_625 = arith.constant 384 : i32
    %add3A_626 = vector.broadcast %add3A_625 : i32 to vector<1x128xi32>
    %add3A_627 = arith.addi %broadcast_in_dim3A_624, %add3A_626 : vector<1x128xi32>
    %lt3A_628 = arith.cmpf olt, %broadcast_in_dim3A_616, %min3A_603 : vector<1x128xf32>
    %select_n3A_629 = arith.select %lt3A_628, %add3A_627, %select_n3A_602 : vector<1x128xi1>, vector<1x128xi32>
    %min3A_630 = arith.minimumf %min3A_603, %broadcast_in_dim3A_616 : vector<1x128xf32>
    %slice3A_631 = vector.extract_strided_slice %dot_general3A_479 {offsets = [512, 0], sizes = [128, 128], strides = [1, 1]} : vector<1024x256xf32> to vector<128x128xf32>
    %sub3A_632 = vector.broadcast %slice3A_525 : vector<1x128xf32> to vector<128x128xf32>
    %sub3A_633 = arith.subf %sub3A_632, %slice3A_631 : vector<128x128xf32>
    %slice3A_634 = vector.extract_strided_slice %get3A_6 {offsets = [512, 0], sizes = [128, 1], strides = [1, 1]} : vector<1024x1xf32> to vector<128x1xf32>
    %add3A_635 = vector.broadcast %slice3A_634 : vector<128x1xf32> to vector<128x128xf32>
    %add3A_636 = arith.addf %sub3A_633, %add3A_635 : vector<128x128xf32>
    %max3A_637 = arith.constant 0.000000e+00 : f32
    %max3A_638 = vector.broadcast %max3A_637 : f32 to vector<128x128xf32>
    %max3A_639 = arith.maximumf %add3A_636, %max3A_638 : vector<128x128xf32>
    %sqrt3A_640 = math.sqrt %max3A_639 : vector<128x128xf32>
    %reduce_min3A_641 = arith.constant dense<0x7F800000> : vector<128xf32>
    %reduce_min3A_642 = vector.multi_reduction <minimumf>, %sqrt3A_640, %reduce_min3A_641 [0] : vector<128x128xf32> to vector<128xf32>
    %broadcast_in_dim3A_643 = vector.shape_cast %reduce_min3A_642 : vector<128xf32> to vector<1x128xf32>
    %eq3A_644 = vector.broadcast %broadcast_in_dim3A_643 : vector<1x128xf32> to vector<128x128xf32>
    %eq3A_645 = arith.cmpf oeq, %sqrt3A_640, %eq3A_644 : vector<128x128xf32>
    %jit3A_646 = arith.constant 1024 : i32
    %broadcast_in_dim3A_647 = vector.broadcast %jit3A_646 : i32 to vector<128x128xi32>
    %select_n3A_648 = arith.select %eq3A_645, %iota3A, %broadcast_in_dim3A_647 : vector<128x128xi1>, vector<128x128xi32>
    %reduce_min3A_649 = arith.constant dense<2147483647> : vector<128xi32>
    %reduce_min3A_650 = vector.multi_reduction <minsi>, %select_n3A_648, %reduce_min3A_649 [0] : vector<128x128xi32> to vector<128xi32>
    %broadcast_in_dim3A_651 = vector.shape_cast %reduce_min3A_650 : vector<128xi32> to vector<1x128xi32>
    %add3A_652 = arith.constant 512 : i32
    %add3A_653 = vector.broadcast %add3A_652 : i32 to vector<1x128xi32>
    %add3A_654 = arith.addi %broadcast_in_dim3A_651, %add3A_653 : vector<1x128xi32>
    %lt3A_655 = arith.cmpf olt, %broadcast_in_dim3A_643, %min3A_630 : vector<1x128xf32>
    %select_n3A_656 = arith.select %lt3A_655, %add3A_654, %select_n3A_629 : vector<1x128xi1>, vector<1x128xi32>
    %min3A_657 = arith.minimumf %min3A_630, %broadcast_in_dim3A_643 : vector<1x128xf32>
    %slice3A_658 = vector.extract_strided_slice %dot_general3A_479 {offsets = [640, 0], sizes = [128, 128], strides = [1, 1]} : vector<1024x256xf32> to vector<128x128xf32>
    %sub3A_659 = vector.broadcast %slice3A_525 : vector<1x128xf32> to vector<128x128xf32>
    %sub3A_660 = arith.subf %sub3A_659, %slice3A_658 : vector<128x128xf32>
    %slice3A_661 = vector.extract_strided_slice %get3A_6 {offsets = [640, 0], sizes = [128, 1], strides = [1, 1]} : vector<1024x1xf32> to vector<128x1xf32>
    %add3A_662 = vector.broadcast %slice3A_661 : vector<128x1xf32> to vector<128x128xf32>
    %add3A_663 = arith.addf %sub3A_660, %add3A_662 : vector<128x128xf32>
    %max3A_664 = arith.constant 0.000000e+00 : f32
    %max3A_665 = vector.broadcast %max3A_664 : f32 to vector<128x128xf32>
    %max3A_666 = arith.maximumf %add3A_663, %max3A_665 : vector<128x128xf32>
    %sqrt3A_667 = math.sqrt %max3A_666 : vector<128x128xf32>
    %reduce_min3A_668 = arith.constant dense<0x7F800000> : vector<128xf32>
    %reduce_min3A_669 = vector.multi_reduction <minimumf>, %sqrt3A_667, %reduce_min3A_668 [0] : vector<128x128xf32> to vector<128xf32>
    %broadcast_in_dim3A_670 = vector.shape_cast %reduce_min3A_669 : vector<128xf32> to vector<1x128xf32>
    %eq3A_671 = vector.broadcast %broadcast_in_dim3A_670 : vector<1x128xf32> to vector<128x128xf32>
    %eq3A_672 = arith.cmpf oeq, %sqrt3A_667, %eq3A_671 : vector<128x128xf32>
    %jit3A_673 = arith.constant 1024 : i32
    %broadcast_in_dim3A_674 = vector.broadcast %jit3A_673 : i32 to vector<128x128xi32>
    %select_n3A_675 = arith.select %eq3A_672, %iota3A, %broadcast_in_dim3A_674 : vector<128x128xi1>, vector<128x128xi32>
    %reduce_min3A_676 = arith.constant dense<2147483647> : vector<128xi32>
    %reduce_min3A_677 = vector.multi_reduction <minsi>, %select_n3A_675, %reduce_min3A_676 [0] : vector<128x128xi32> to vector<128xi32>
    %broadcast_in_dim3A_678 = vector.shape_cast %reduce_min3A_677 : vector<128xi32> to vector<1x128xi32>
    %add3A_679 = arith.constant 640 : i32
    %add3A_680 = vector.broadcast %add3A_679 : i32 to vector<1x128xi32>
    %add3A_681 = arith.addi %broadcast_in_dim3A_678, %add3A_680 : vector<1x128xi32>
    %lt3A_682 = arith.cmpf olt, %broadcast_in_dim3A_670, %min3A_657 : vector<1x128xf32>
    %select_n3A_683 = arith.select %lt3A_682, %add3A_681, %select_n3A_656 : vector<1x128xi1>, vector<1x128xi32>
    %min3A_684 = arith.minimumf %min3A_657, %broadcast_in_dim3A_670 : vector<1x128xf32>
    %slice3A_685 = vector.extract_strided_slice %dot_general3A_479 {offsets = [768, 0], sizes = [128, 128], strides = [1, 1]} : vector<1024x256xf32> to vector<128x128xf32>
    %sub3A_686 = vector.broadcast %slice3A_525 : vector<1x128xf32> to vector<128x128xf32>
    %sub3A_687 = arith.subf %sub3A_686, %slice3A_685 : vector<128x128xf32>
    %slice3A_688 = vector.extract_strided_slice %get3A_6 {offsets = [768, 0], sizes = [128, 1], strides = [1, 1]} : vector<1024x1xf32> to vector<128x1xf32>
    %add3A_689 = vector.broadcast %slice3A_688 : vector<128x1xf32> to vector<128x128xf32>
    %add3A_690 = arith.addf %sub3A_687, %add3A_689 : vector<128x128xf32>
    %max3A_691 = arith.constant 0.000000e+00 : f32
    %max3A_692 = vector.broadcast %max3A_691 : f32 to vector<128x128xf32>
    %max3A_693 = arith.maximumf %add3A_690, %max3A_692 : vector<128x128xf32>
    %sqrt3A_694 = math.sqrt %max3A_693 : vector<128x128xf32>
    %reduce_min3A_695 = arith.constant dense<0x7F800000> : vector<128xf32>
    %reduce_min3A_696 = vector.multi_reduction <minimumf>, %sqrt3A_694, %reduce_min3A_695 [0] : vector<128x128xf32> to vector<128xf32>
    %broadcast_in_dim3A_697 = vector.shape_cast %reduce_min3A_696 : vector<128xf32> to vector<1x128xf32>
    %eq3A_698 = vector.broadcast %broadcast_in_dim3A_697 : vector<1x128xf32> to vector<128x128xf32>
    %eq3A_699 = arith.cmpf oeq, %sqrt3A_694, %eq3A_698 : vector<128x128xf32>
    %jit3A_700 = arith.constant 1024 : i32
    %broadcast_in_dim3A_701 = vector.broadcast %jit3A_700 : i32 to vector<128x128xi32>
    %select_n3A_702 = arith.select %eq3A_699, %iota3A, %broadcast_in_dim3A_701 : vector<128x128xi1>, vector<128x128xi32>
    %reduce_min3A_703 = arith.constant dense<2147483647> : vector<128xi32>
    %reduce_min3A_704 = vector.multi_reduction <minsi>, %select_n3A_702, %reduce_min3A_703 [0] : vector<128x128xi32> to vector<128xi32>
    %broadcast_in_dim3A_705 = vector.shape_cast %reduce_min3A_704 : vector<128xi32> to vector<1x128xi32>
    %add3A_706 = arith.constant 768 : i32
    %add3A_707 = vector.broadcast %add3A_706 : i32 to vector<1x128xi32>
    %add3A_708 = arith.addi %broadcast_in_dim3A_705, %add3A_707 : vector<1x128xi32>
    %lt3A_709 = arith.cmpf olt, %broadcast_in_dim3A_697, %min3A_684 : vector<1x128xf32>
    %select_n3A_710 = arith.select %lt3A_709, %add3A_708, %select_n3A_683 : vector<1x128xi1>, vector<1x128xi32>
    %min3A_711 = arith.minimumf %min3A_684, %broadcast_in_dim3A_697 : vector<1x128xf32>
    %slice3A_712 = vector.extract_strided_slice %dot_general3A_479 {offsets = [896, 0], sizes = [128, 128], strides = [1, 1]} : vector<1024x256xf32> to vector<128x128xf32>
    %sub3A_713 = vector.broadcast %slice3A_525 : vector<1x128xf32> to vector<128x128xf32>
    %sub3A_714 = arith.subf %sub3A_713, %slice3A_712 : vector<128x128xf32>
    %slice3A_715 = vector.extract_strided_slice %get3A_6 {offsets = [896, 0], sizes = [128, 1], strides = [1, 1]} : vector<1024x1xf32> to vector<128x1xf32>
    %add3A_716 = vector.broadcast %slice3A_715 : vector<128x1xf32> to vector<128x128xf32>
    %add3A_717 = arith.addf %sub3A_714, %add3A_716 : vector<128x128xf32>
    %max3A_718 = arith.constant 0.000000e+00 : f32
    %max3A_719 = vector.broadcast %max3A_718 : f32 to vector<128x128xf32>
    %max3A_720 = arith.maximumf %add3A_717, %max3A_719 : vector<128x128xf32>
    %sqrt3A_721 = math.sqrt %max3A_720 : vector<128x128xf32>
    %reduce_min3A_722 = arith.constant dense<0x7F800000> : vector<128xf32>
    %reduce_min3A_723 = vector.multi_reduction <minimumf>, %sqrt3A_721, %reduce_min3A_722 [0] : vector<128x128xf32> to vector<128xf32>
    %broadcast_in_dim3A_724 = vector.shape_cast %reduce_min3A_723 : vector<128xf32> to vector<1x128xf32>
    %eq3A_725 = vector.broadcast %broadcast_in_dim3A_724 : vector<1x128xf32> to vector<128x128xf32>
    %eq3A_726 = arith.cmpf oeq, %sqrt3A_721, %eq3A_725 : vector<128x128xf32>
    %jit3A_727 = arith.constant 1024 : i32
    %broadcast_in_dim3A_728 = vector.broadcast %jit3A_727 : i32 to vector<128x128xi32>
    %select_n3A_729 = arith.select %eq3A_726, %iota3A, %broadcast_in_dim3A_728 : vector<128x128xi1>, vector<128x128xi32>
    %reduce_min3A_730 = arith.constant dense<2147483647> : vector<128xi32>
    %reduce_min3A_731 = vector.multi_reduction <minsi>, %select_n3A_729, %reduce_min3A_730 [0] : vector<128x128xi32> to vector<128xi32>
    %broadcast_in_dim3A_732 = vector.shape_cast %reduce_min3A_731 : vector<128xi32> to vector<1x128xi32>
    %add3A_733 = arith.constant 896 : i32
    %add3A_734 = vector.broadcast %add3A_733 : i32 to vector<1x128xi32>
    %add3A_735 = arith.addi %broadcast_in_dim3A_732, %add3A_734 : vector<1x128xi32>
    %lt3A_736 = arith.cmpf olt, %broadcast_in_dim3A_724, %min3A_711 : vector<1x128xf32>
    %select_n3A_737 = arith.select %lt3A_736, %add3A_735, %select_n3A_710 : vector<1x128xi1>, vector<1x128xi32>
    %swap3A_738 = arith.constant 0 : index
    %swap3A_739 = arith.constant 256 : index
    %swap3A_740 = vector.load %arg3[%swap3A_738, %swap3A_739] : memref<1x512xi32, #tpu.memory_space<vmem>>, vector<1x128xi32>
    tpu.vector_store %arg3[%swap3A_738, %swap3A_739], %select_n3A_737 {strides = array<i32>} : memref<1x512xi32, #tpu.memory_space<vmem>>, vector<1x128xi32>,
    %slice3A_741 = vector.extract_strided_slice %add3A_524 {offsets = [0, 128], sizes = [1, 128], strides = [1, 1]} : vector<1x256xf32> to vector<1x128xf32>
    %slice3A_742 = vector.extract_strided_slice %dot_general3A_479 {offsets = [0, 128], sizes = [128, 128], strides = [1, 1]} : vector<1024x256xf32> to vector<128x128xf32>
    %sub3A_743 = vector.broadcast %slice3A_741 : vector<1x128xf32> to vector<128x128xf32>
    %sub3A_744 = arith.subf %sub3A_743, %slice3A_742 : vector<128x128xf32>
    %slice3A_745 = vector.extract_strided_slice %get3A_6 {offsets = [0, 0], sizes = [128, 1], strides = [1, 1]} : vector<1024x1xf32> to vector<128x1xf32>
    %add3A_746 = vector.broadcast %slice3A_745 : vector<128x1xf32> to vector<128x128xf32>
    %add3A_747 = arith.addf %sub3A_744, %add3A_746 : vector<128x128xf32>
    %max3A_748 = arith.constant 0.000000e+00 : f32
    %max3A_749 = vector.broadcast %max3A_748 : f32 to vector<128x128xf32>
    %max3A_750 = arith.maximumf %add3A_747, %max3A_749 : vector<128x128xf32>
    %sqrt3A_751 = math.sqrt %max3A_750 : vector<128x128xf32>
    %reduce_min3A_752 = arith.constant dense<0x7F800000> : vector<128xf32>
    %reduce_min3A_753 = vector.multi_reduction <minimumf>, %sqrt3A_751, %reduce_min3A_752 [0] : vector<128x128xf32> to vector<128xf32>
    %broadcast_in_dim3A_754 = vector.shape_cast %reduce_min3A_753 : vector<128xf32> to vector<1x128xf32>
    %eq3A_755 = vector.broadcast %broadcast_in_dim3A_754 : vector<1x128xf32> to vector<128x128xf32>
    %eq3A_756 = arith.cmpf oeq, %sqrt3A_751, %eq3A_755 : vector<128x128xf32>
    %jit3A_757 = arith.constant 1024 : i32
    %broadcast_in_dim3A_758 = vector.broadcast %jit3A_757 : i32 to vector<128x128xi32>
    %select_n3A_759 = arith.select %eq3A_756, %iota3A, %broadcast_in_dim3A_758 : vector<128x128xi1>, vector<128x128xi32>
    %reduce_min3A_760 = arith.constant dense<2147483647> : vector<128xi32>
    %reduce_min3A_761 = vector.multi_reduction <minsi>, %select_n3A_759, %reduce_min3A_760 [0] : vector<128x128xi32> to vector<128xi32>
    %broadcast_in_dim3A_762 = vector.shape_cast %reduce_min3A_761 : vector<128xi32> to vector<1x128xi32>
    %add3A_763 = arith.constant 0 : i32
    %add3A_764 = vector.broadcast %add3A_763 : i32 to vector<1x128xi32>
    %add3A_765 = arith.addi %broadcast_in_dim3A_762, %add3A_764 : vector<1x128xi32>
    %slice3A_766 = vector.extract_strided_slice %dot_general3A_479 {offsets = [128, 128], sizes = [128, 128], strides = [1, 1]} : vector<1024x256xf32> to vector<128x128xf32>
    %sub3A_767 = vector.broadcast %slice3A_741 : vector<1x128xf32> to vector<128x128xf32>
    %sub3A_768 = arith.subf %sub3A_767, %slice3A_766 : vector<128x128xf32>
    %slice3A_769 = vector.extract_strided_slice %get3A_6 {offsets = [128, 0], sizes = [128, 1], strides = [1, 1]} : vector<1024x1xf32> to vector<128x1xf32>
    %add3A_770 = vector.broadcast %slice3A_769 : vector<128x1xf32> to vector<128x128xf32>
    %add3A_771 = arith.addf %sub3A_768, %add3A_770 : vector<128x128xf32>
    %max3A_772 = arith.constant 0.000000e+00 : f32
    %max3A_773 = vector.broadcast %max3A_772 : f32 to vector<128x128xf32>
    %max3A_774 = arith.maximumf %add3A_771, %max3A_773 : vector<128x128xf32>
    %sqrt3A_775 = math.sqrt %max3A_774 : vector<128x128xf32>
    %reduce_min3A_776 = arith.constant dense<0x7F800000> : vector<128xf32>
    %reduce_min3A_777 = vector.multi_reduction <minimumf>, %sqrt3A_775, %reduce_min3A_776 [0] : vector<128x128xf32> to vector<128xf32>
    %broadcast_in_dim3A_778 = vector.shape_cast %reduce_min3A_777 : vector<128xf32> to vector<1x128xf32>
    %eq3A_779 = vector.broadcast %broadcast_in_dim3A_778 : vector<1x128xf32> to vector<128x128xf32>
    %eq3A_780 = arith.cmpf oeq, %sqrt3A_775, %eq3A_779 : vector<128x128xf32>
    %jit3A_781 = arith.constant 1024 : i32
    %broadcast_in_dim3A_782 = vector.broadcast %jit3A_781 : i32 to vector<128x128xi32>
    %select_n3A_783 = arith.select %eq3A_780, %iota3A, %broadcast_in_dim3A_782 : vector<128x128xi1>, vector<128x128xi32>
    %reduce_min3A_784 = arith.constant dense<2147483647> : vector<128xi32>
    %reduce_min3A_785 = vector.multi_reduction <minsi>, %select_n3A_783, %reduce_min3A_784 [0] : vector<128x128xi32> to vector<128xi32>
    %broadcast_in_dim3A_786 = vector.shape_cast %reduce_min3A_785 : vector<128xi32> to vector<1x128xi32>
    %add3A_787 = arith.constant 128 : i32
    %add3A_788 = vector.broadcast %add3A_787 : i32 to vector<1x128xi32>
    %add3A_789 = arith.addi %broadcast_in_dim3A_786, %add3A_788 : vector<1x128xi32>
    %lt3A_790 = arith.cmpf olt, %broadcast_in_dim3A_778, %broadcast_in_dim3A_754 : vector<1x128xf32>
    %select_n3A_791 = arith.select %lt3A_790, %add3A_789, %add3A_765 : vector<1x128xi1>, vector<1x128xi32>
    %min3A_792 = arith.minimumf %broadcast_in_dim3A_754, %broadcast_in_dim3A_778 : vector<1x128xf32>
    %slice3A_793 = vector.extract_strided_slice %dot_general3A_479 {offsets = [256, 128], sizes = [128, 128], strides = [1, 1]} : vector<1024x256xf32> to vector<128x128xf32>
    %sub3A_794 = vector.broadcast %slice3A_741 : vector<1x128xf32> to vector<128x128xf32>
    %sub3A_795 = arith.subf %sub3A_794, %slice3A_793 : vector<128x128xf32>
    %slice3A_796 = vector.extract_strided_slice %get3A_6 {offsets = [256, 0], sizes = [128, 1], strides = [1, 1]} : vector<1024x1xf32> to vector<128x1xf32>
    %add3A_797 = vector.broadcast %slice3A_796 : vector<128x1xf32> to vector<128x128xf32>
    %add3A_798 = arith.addf %sub3A_795, %add3A_797 : vector<128x128xf32>
    %max3A_799 = arith.constant 0.000000e+00 : f32
    %max3A_800 = vector.broadcast %max3A_799 : f32 to vector<128x128xf32>
    %max3A_801 = arith.maximumf %add3A_798, %max3A_800 : vector<128x128xf32>
    %sqrt3A_802 = math.sqrt %max3A_801 : vector<128x128xf32>
    %reduce_min3A_803 = arith.constant dense<0x7F800000> : vector<128xf32>
    %reduce_min3A_804 = vector.multi_reduction <minimumf>, %sqrt3A_802, %reduce_min3A_803 [0] : vector<128x128xf32> to vector<128xf32>
    %broadcast_in_dim3A_805 = vector.shape_cast %reduce_min3A_804 : vector<128xf32> to vector<1x128xf32>
    %eq3A_806 = vector.broadcast %broadcast_in_dim3A_805 : vector<1x128xf32> to vector<128x128xf32>
    %eq3A_807 = arith.cmpf oeq, %sqrt3A_802, %eq3A_806 : vector<128x128xf32>
    %jit3A_808 = arith.constant 1024 : i32
    %broadcast_in_dim3A_809 = vector.broadcast %jit3A_808 : i32 to vector<128x128xi32>
    %select_n3A_810 = arith.select %eq3A_807, %iota3A, %broadcast_in_dim3A_809 : vector<128x128xi1>, vector<128x128xi32>
    %reduce_min3A_811 = arith.constant dense<2147483647> : vector<128xi32>
    %reduce_min3A_812 = vector.multi_reduction <minsi>, %select_n3A_810, %reduce_min3A_811 [0] : vector<128x128xi32> to vector<128xi32>
    %broadcast_in_dim3A_813 = vector.shape_cast %reduce_min3A_812 : vector<128xi32> to vector<1x128xi32>
    %add3A_814 = arith.constant 256 : i32
    %add3A_815 = vector.broadcast %add3A_814 : i32 to vector<1x128xi32>
    %add3A_816 = arith.addi %broadcast_in_dim3A_813, %add3A_815 : vector<1x128xi32>
    %lt3A_817 = arith.cmpf olt, %broadcast_in_dim3A_805, %min3A_792 : vector<1x128xf32>
    %select_n3A_818 = arith.select %lt3A_817, %add3A_816, %select_n3A_791 : vector<1x128xi1>, vector<1x128xi32>
    %min3A_819 = arith.minimumf %min3A_792, %broadcast_in_dim3A_805 : vector<1x128xf32>
    %slice3A_820 = vector.extract_strided_slice %dot_general3A_479 {offsets = [384, 128], sizes = [128, 128], strides = [1, 1]} : vector<1024x256xf32> to vector<128x128xf32>
    %sub3A_821 = vector.broadcast %slice3A_741 : vector<1x128xf32> to vector<128x128xf32>
    %sub3A_822 = arith.subf %sub3A_821, %slice3A_820 : vector<128x128xf32>
    %slice3A_823 = vector.extract_strided_slice %get3A_6 {offsets = [384, 0], sizes = [128, 1], strides = [1, 1]} : vector<1024x1xf32> to vector<128x1xf32>
    %add3A_824 = vector.broadcast %slice3A_823 : vector<128x1xf32> to vector<128x128xf32>
    %add3A_825 = arith.addf %sub3A_822, %add3A_824 : vector<128x128xf32>
    %max3A_826 = arith.constant 0.000000e+00 : f32
    %max3A_827 = vector.broadcast %max3A_826 : f32 to vector<128x128xf32>
    %max3A_828 = arith.maximumf %add3A_825, %max3A_827 : vector<128x128xf32>
    %sqrt3A_829 = math.sqrt %max3A_828 : vector<128x128xf32>
    %reduce_min3A_830 = arith.constant dense<0x7F800000> : vector<128xf32>
    %reduce_min3A_831 = vector.multi_reduction <minimumf>, %sqrt3A_829, %reduce_min3A_830 [0] : vector<128x128xf32> to vector<128xf32>
    %broadcast_in_dim3A_832 = vector.shape_cast %reduce_min3A_831 : vector<128xf32> to vector<1x128xf32>
    %eq3A_833 = vector.broadcast %broadcast_in_dim3A_832 : vector<1x128xf32> to vector<128x128xf32>
    %eq3A_834 = arith.cmpf oeq, %sqrt3A_829, %eq3A_833 : vector<128x128xf32>
    %jit3A_835 = arith.constant 1024 : i32
    %broadcast_in_dim3A_836 = vector.broadcast %jit3A_835 : i32 to vector<128x128xi32>
    %select_n3A_837 = arith.select %eq3A_834, %iota3A, %broadcast_in_dim3A_836 : vector<128x128xi1>, vector<128x128xi32>
    %reduce_min3A_838 = arith.constant dense<2147483647> : vector<128xi32>
    %reduce_min3A_839 = vector.multi_reduction <minsi>, %select_n3A_837, %reduce_min3A_838 [0] : vector<128x128xi32> to vector<128xi32>
    %broadcast_in_dim3A_840 = vector.shape_cast %reduce_min3A_839 : vector<128xi32> to vector<1x128xi32>
    %add3A_841 = arith.constant 384 : i32
    %add3A_842 = vector.broadcast %add3A_841 : i32 to vector<1x128xi32>
    %add3A_843 = arith.addi %broadcast_in_dim3A_840, %add3A_842 : vector<1x128xi32>
    %lt3A_844 = arith.cmpf olt, %broadcast_in_dim3A_832, %min3A_819 : vector<1x128xf32>
    %select_n3A_845 = arith.select %lt3A_844, %add3A_843, %select_n3A_818 : vector<1x128xi1>, vector<1x128xi32>
    %min3A_846 = arith.minimumf %min3A_819, %broadcast_in_dim3A_832 : vector<1x128xf32>
    %slice3A_847 = vector.extract_strided_slice %dot_general3A_479 {offsets = [512, 128], sizes = [128, 128], strides = [1, 1]} : vector<1024x256xf32> to vector<128x128xf32>
    %sub3A_848 = vector.broadcast %slice3A_741 : vector<1x128xf32> to vector<128x128xf32>
    %sub3A_849 = arith.subf %sub3A_848, %slice3A_847 : vector<128x128xf32>
    %slice3A_850 = vector.extract_strided_slice %get3A_6 {offsets = [512, 0], sizes = [128, 1], strides = [1, 1]} : vector<1024x1xf32> to vector<128x1xf32>
    %add3A_851 = vector.broadcast %slice3A_850 : vector<128x1xf32> to vector<128x128xf32>
    %add3A_852 = arith.addf %sub3A_849, %add3A_851 : vector<128x128xf32>
    %max3A_853 = arith.constant 0.000000e+00 : f32
    %max3A_854 = vector.broadcast %max3A_853 : f32 to vector<128x128xf32>
    %max3A_855 = arith.maximumf %add3A_852, %max3A_854 : vector<128x128xf32>
    %sqrt3A_856 = math.sqrt %max3A_855 : vector<128x128xf32>
    %reduce_min3A_857 = arith.constant dense<0x7F800000> : vector<128xf32>
    %reduce_min3A_858 = vector.multi_reduction <minimumf>, %sqrt3A_856, %reduce_min3A_857 [0] : vector<128x128xf32> to vector<128xf32>
    %broadcast_in_dim3A_859 = vector.shape_cast %reduce_min3A_858 : vector<128xf32> to vector<1x128xf32>
    %eq3A_860 = vector.broadcast %broadcast_in_dim3A_859 : vector<1x128xf32> to vector<128x128xf32>
    %eq3A_861 = arith.cmpf oeq, %sqrt3A_856, %eq3A_860 : vector<128x128xf32>
    %jit3A_862 = arith.constant 1024 : i32
    %broadcast_in_dim3A_863 = vector.broadcast %jit3A_862 : i32 to vector<128x128xi32>
    %select_n3A_864 = arith.select %eq3A_861, %iota3A, %broadcast_in_dim3A_863 : vector<128x128xi1>, vector<128x128xi32>
    %reduce_min3A_865 = arith.constant dense<2147483647> : vector<128xi32>
    %reduce_min3A_866 = vector.multi_reduction <minsi>, %select_n3A_864, %reduce_min3A_865 [0] : vector<128x128xi32> to vector<128xi32>
    %broadcast_in_dim3A_867 = vector.shape_cast %reduce_min3A_866 : vector<128xi32> to vector<1x128xi32>
    %add3A_868 = arith.constant 512 : i32
    %add3A_869 = vector.broadcast %add3A_868 : i32 to vector<1x128xi32>
    %add3A_870 = arith.addi %broadcast_in_dim3A_867, %add3A_869 : vector<1x128xi32>
    %lt3A_871 = arith.cmpf olt, %broadcast_in_dim3A_859, %min3A_846 : vector<1x128xf32>
    %select_n3A_872 = arith.select %lt3A_871, %add3A_870, %select_n3A_845 : vector<1x128xi1>, vector<1x128xi32>
    %min3A_873 = arith.minimumf %min3A_846, %broadcast_in_dim3A_859 : vector<1x128xf32>
    %slice3A_874 = vector.extract_strided_slice %dot_general3A_479 {offsets = [640, 128], sizes = [128, 128], strides = [1, 1]} : vector<1024x256xf32> to vector<128x128xf32>
    %sub3A_875 = vector.broadcast %slice3A_741 : vector<1x128xf32> to vector<128x128xf32>
    %sub3A_876 = arith.subf %sub3A_875, %slice3A_874 : vector<128x128xf32>
    %slice3A_877 = vector.extract_strided_slice %get3A_6 {offsets = [640, 0], sizes = [128, 1], strides = [1, 1]} : vector<1024x1xf32> to vector<128x1xf32>
    %add3A_878 = vector.broadcast %slice3A_877 : vector<128x1xf32> to vector<128x128xf32>
    %add3A_879 = arith.addf %sub3A_876, %add3A_878 : vector<128x128xf32>
    %max3A_880 = arith.constant 0.000000e+00 : f32
    %max3A_881 = vector.broadcast %max3A_880 : f32 to vector<128x128xf32>
    %max3A_882 = arith.maximumf %add3A_879, %max3A_881 : vector<128x128xf32>
    %sqrt3A_883 = math.sqrt %max3A_882 : vector<128x128xf32>
    %reduce_min3A_884 = arith.constant dense<0x7F800000> : vector<128xf32>
    %reduce_min3A_885 = vector.multi_reduction <minimumf>, %sqrt3A_883, %reduce_min3A_884 [0] : vector<128x128xf32> to vector<128xf32>
    %broadcast_in_dim3A_886 = vector.shape_cast %reduce_min3A_885 : vector<128xf32> to vector<1x128xf32>
    %eq3A_887 = vector.broadcast %broadcast_in_dim3A_886 : vector<1x128xf32> to vector<128x128xf32>
    %eq3A_888 = arith.cmpf oeq, %sqrt3A_883, %eq3A_887 : vector<128x128xf32>
    %jit3A_889 = arith.constant 1024 : i32
    %broadcast_in_dim3A_890 = vector.broadcast %jit3A_889 : i32 to vector<128x128xi32>
    %select_n3A_891 = arith.select %eq3A_888, %iota3A, %broadcast_in_dim3A_890 : vector<128x128xi1>, vector<128x128xi32>
    %reduce_min3A_892 = arith.constant dense<2147483647> : vector<128xi32>
    %reduce_min3A_893 = vector.multi_reduction <minsi>, %select_n3A_891, %reduce_min3A_892 [0] : vector<128x128xi32> to vector<128xi32>
    %broadcast_in_dim3A_894 = vector.shape_cast %reduce_min3A_893 : vector<128xi32> to vector<1x128xi32>
    %add3A_895 = arith.constant 640 : i32
    %add3A_896 = vector.broadcast %add3A_895 : i32 to vector<1x128xi32>
    %add3A_897 = arith.addi %broadcast_in_dim3A_894, %add3A_896 : vector<1x128xi32>
    %lt3A_898 = arith.cmpf olt, %broadcast_in_dim3A_886, %min3A_873 : vector<1x128xf32>
    %select_n3A_899 = arith.select %lt3A_898, %add3A_897, %select_n3A_872 : vector<1x128xi1>, vector<1x128xi32>
    %min3A_900 = arith.minimumf %min3A_873, %broadcast_in_dim3A_886 : vector<1x128xf32>
    %slice3A_901 = vector.extract_strided_slice %dot_general3A_479 {offsets = [768, 128], sizes = [128, 128], strides = [1, 1]} : vector<1024x256xf32> to vector<128x128xf32>
    %sub3A_902 = vector.broadcast %slice3A_741 : vector<1x128xf32> to vector<128x128xf32>
    %sub3A_903 = arith.subf %sub3A_902, %slice3A_901 : vector<128x128xf32>
    %slice3A_904 = vector.extract_strided_slice %get3A_6 {offsets = [768, 0], sizes = [128, 1], strides = [1, 1]} : vector<1024x1xf32> to vector<128x1xf32>
    %add3A_905 = vector.broadcast %slice3A_904 : vector<128x1xf32> to vector<128x128xf32>
    %add3A_906 = arith.addf %sub3A_903, %add3A_905 : vector<128x128xf32>
    %max3A_907 = arith.constant 0.000000e+00 : f32
    %max3A_908 = vector.broadcast %max3A_907 : f32 to vector<128x128xf32>
    %max3A_909 = arith.maximumf %add3A_906, %max3A_908 : vector<128x128xf32>
    %sqrt3A_910 = math.sqrt %max3A_909 : vector<128x128xf32>
    %reduce_min3A_911 = arith.constant dense<0x7F800000> : vector<128xf32>
    %reduce_min3A_912 = vector.multi_reduction <minimumf>, %sqrt3A_910, %reduce_min3A_911 [0] : vector<128x128xf32> to vector<128xf32>
    %broadcast_in_dim3A_913 = vector.shape_cast %reduce_min3A_912 : vector<128xf32> to vector<1x128xf32>
    %eq3A_914 = vector.broadcast %broadcast_in_dim3A_913 : vector<1x128xf32> to vector<128x128xf32>
    %eq3A_915 = arith.cmpf oeq, %sqrt3A_910, %eq3A_914 : vector<128x128xf32>
    %jit3A_916 = arith.constant 1024 : i32
    %broadcast_in_dim3A_917 = vector.broadcast %jit3A_916 : i32 to vector<128x128xi32>
    %select_n3A_918 = arith.select %eq3A_915, %iota3A, %broadcast_in_dim3A_917 : vector<128x128xi1>, vector<128x128xi32>
    %reduce_min3A_919 = arith.constant dense<2147483647> : vector<128xi32>
    %reduce_min3A_920 = vector.multi_reduction <minsi>, %select_n3A_918, %reduce_min3A_919 [0] : vector<128x128xi32> to vector<128xi32>
    %broadcast_in_dim3A_921 = vector.shape_cast %reduce_min3A_920 : vector<128xi32> to vector<1x128xi32>
    %add3A_922 = arith.constant 768 : i32
    %add3A_923 = vector.broadcast %add3A_922 : i32 to vector<1x128xi32>
    %add3A_924 = arith.addi %broadcast_in_dim3A_921, %add3A_923 : vector<1x128xi32>
    %lt3A_925 = arith.cmpf olt, %broadcast_in_dim3A_913, %min3A_900 : vector<1x128xf32>
    %select_n3A_926 = arith.select %lt3A_925, %add3A_924, %select_n3A_899 : vector<1x128xi1>, vector<1x128xi32>
    %min3A_927 = arith.minimumf %min3A_900, %broadcast_in_dim3A_913 : vector<1x128xf32>
    %slice3A_928 = vector.extract_strided_slice %dot_general3A_479 {offsets = [896, 128], sizes = [128, 128], strides = [1, 1]} : vector<1024x256xf32> to vector<128x128xf32>
    %sub3A_929 = vector.broadcast %slice3A_741 : vector<1x128xf32> to vector<128x128xf32>
    %sub3A_930 = arith.subf %sub3A_929, %slice3A_928 : vector<128x128xf32>
    %slice3A_931 = vector.extract_strided_slice %get3A_6 {offsets = [896, 0], sizes = [128, 1], strides = [1, 1]} : vector<1024x1xf32> to vector<128x1xf32>
    %add3A_932 = vector.broadcast %slice3A_931 : vector<128x1xf32> to vector<128x128xf32>
    %add3A_933 = arith.addf %sub3A_930, %add3A_932 : vector<128x128xf32>
    %max3A_934 = arith.constant 0.000000e+00 : f32
    %max3A_935 = vector.broadcast %max3A_934 : f32 to vector<128x128xf32>
    %max3A_936 = arith.maximumf %add3A_933, %max3A_935 : vector<128x128xf32>
    %sqrt3A_937 = math.sqrt %max3A_936 : vector<128x128xf32>
    %reduce_min3A_938 = arith.constant dense<0x7F800000> : vector<128xf32>
    %reduce_min3A_939 = vector.multi_reduction <minimumf>, %sqrt3A_937, %reduce_min3A_938 [0] : vector<128x128xf32> to vector<128xf32>
    %broadcast_in_dim3A_940 = vector.shape_cast %reduce_min3A_939 : vector<128xf32> to vector<1x128xf32>
    %eq3A_941 = vector.broadcast %broadcast_in_dim3A_940 : vector<1x128xf32> to vector<128x128xf32>
    %eq3A_942 = arith.cmpf oeq, %sqrt3A_937, %eq3A_941 : vector<128x128xf32>
    %jit3A_943 = arith.constant 1024 : i32
    %broadcast_in_dim3A_944 = vector.broadcast %jit3A_943 : i32 to vector<128x128xi32>
    %select_n3A_945 = arith.select %eq3A_942, %iota3A, %broadcast_in_dim3A_944 : vector<128x128xi1>, vector<128x128xi32>
    %reduce_min3A_946 = arith.constant dense<2147483647> : vector<128xi32>
    %reduce_min3A_947 = vector.multi_reduction <minsi>, %select_n3A_945, %reduce_min3A_946 [0] : vector<128x128xi32> to vector<128xi32>
    %broadcast_in_dim3A_948 = vector.shape_cast %reduce_min3A_947 : vector<128xi32> to vector<1x128xi32>
    %add3A_949 = arith.constant 896 : i32
    %add3A_950 = vector.broadcast %add3A_949 : i32 to vector<1x128xi32>
    %add3A_951 = arith.addi %broadcast_in_dim3A_948, %add3A_950 : vector<1x128xi32>
    %lt3A_952 = arith.cmpf olt, %broadcast_in_dim3A_940, %min3A_927 : vector<1x128xf32>
    %select_n3A_953 = arith.select %lt3A_952, %add3A_951, %select_n3A_926 : vector<1x128xi1>, vector<1x128xi32>
    %swap3A_954 = arith.constant 0 : index
    %swap3A_955 = arith.constant 384 : index
    %swap3A_956 = vector.load %arg3[%swap3A_954, %swap3A_955] : memref<1x512xi32, #tpu.memory_space<vmem>>, vector<1x128xi32>
    tpu.vector_store %arg3[%swap3A_954, %swap3A_955], %select_n3A_953 {strides = array<i32>} : memref<1x512xi32, #tpu.memory_space<vmem>>, vector<1x128xi32>,
    return
  }
  func.func @transform_0(%arg0: i32) -> (i32, i32) {
    %c0_i32 = arith.constant 0 : i32
    %c0_i32_0 = arith.constant 0 : i32
    return %arg0, %c0_i32 : i32, i32
  }
  func.func @transform_1(%arg0: i32) -> (i32, i32) {
    %c0_i32 = arith.constant 0 : i32
    %c0_i32_0 = arith.constant 0 : i32
    %c0_i32_1 = arith.constant 0 : i32
    return %c0_i32, %c0_i32_0 : i32, i32
  }
  func.func @transform_2(%arg0: i32) -> (i32, i32) {
    %c0_i32 = arith.constant 0 : i32
    %c0_i32_0 = arith.constant 0 : i32
    return %c0_i32, %arg0 : i32, i32
  }
}

</mosaic_0001>

<sc_bundles>
// kernel: kernel.4.cloned.1.call-start
scs
__scs_entry_jumppad:
0x0: {  	(pc) =	sbr.rel $0x88, $3  }
0x1: {  	(tag) =	ssettag $0x0;
	lr =	simm.s32 $0x1  }
0x2: {  	[smem:$0x3F9F] =	sst lr;
	_ =	strace $0xD0000000  }
0x3: {  	_ = 	snop  }
0x4: {  	_ = 	snop  }
0x5: {  	_ = 	snop  }
0x6: {  	_ = 	snop  }
0x7: {  	_ = 	snop  }
__scs_overlays_trampoline_lowered:
0x8: {  	[smem:$0x3FAE] =	sst s0  }
0x9: {  	[smem:$0x3FAF] =	sst s1  }
0xa: {  	[smem:$0x3FB0] =	sst s2  }
0xb: {  	[smem:$0x3FB1] =	sst s3  }
0xc: {  	[smem:$0x3FB2] =	sst s4  }
0xd: {  	[smem:$0x3FB3] =	sst s5  }
0xe: {  	[smem:$0x3FB4] =	sst s6  }
0xf: {  	[smem:$0x3FB5] =	sst s7  }
0x10: {  	[smem:$0x3FB6] =	sst s8  }
0x11: {  	[smem:$0x3FB7] =	sst s9;
	s0 =	simm.s32 @!p0 $0x0  }
0x12: {  	s1 =	sld [smem:$0x3F9D];
	s0 =	simm.s32 @p0 $0x1  }
0x13: {  	[smem:$0x3FB8] =	sst s0;
	s0 =	simm.s32 @!p1 $0x0  }
0x14: {  	s2 =	sld [smem:$0x3F9C];
	s0 =	simm.s32 @p1 $0x1  }
0x15: {  	[smem:$0x3FB9] =	sst s0;
	s0 =	simm.s32 @!p2 $0x0  }
0x16: {  	s3 =	sld [smem:$0x3FDB];
	s0 =	simm.s32 @p2 $0x1  }
0x17: {  	s4 =	simm.s32 $0x1BF5;
	[smem:$0x3FBB] =	sst s0  }
0x18: {  	s0 =	sld [smem:$0x3F9E];
	_ =	swait.ge [sflag:s4], $0x0  }
0x19: {  	s7 =	sld [smem:$0x3F9F]  }
0x1a: {  	s8 =	sadd.s32 $0xFFFFE003, lr  }
0x1b: {  	s9 =	sadd.s32 $0xFFFFFEF7, lr;
	s5 =	simm.s32 $0xFFFFFFFF;
	p2 =	slt.u32 s8, $0xFFFFF086  }
0x1c: {  	p1 =	slt.u32 s9, $0xF7A;
	s5 =	simm.s32 @!p2 $0x0  }
0x1d: {  	s5 =	simm.s32 @p1 $0x1;
	p0 =	seq.s32 s7, s2  }
0x1e: {  	s7 =	smul.u32 @!p0 $0xF7A, s2;
	p2 =	seq.s32 @!p0 s5, $0x0  }
0x1f: {  	s9 =	smul.u32 $0xF7A, s1;
	s8 =	simm.s32 @!p0 $0x1BF5;
	p2 =	por !p2, p0  }
0x20: {  	[sflag:s8] =	ssyncset.s32 @!p0 $0xFFFFF086;
	s6 =	sadd.s32 @!p0 s3, s7;
	s7 =	simm.s32 @!p0 $0x108  }
0x21: {  	s3 =	sadd.s32 s3, s9;
	s6 =	sadd.s32 @!p0 $0x88, s6;
	s7 =	simm.s32 @p2 $0x1082  }
0x22: {  	[simem:s7], [sflag:s8] =	dma.local @!p0 [hbm:s6], $0xF7A  }
0x23: {  	s9 =	sor.u32 $0xD0000000, s2;
	s6 =	simm.s32 $0x108;
	_ =	swait.ge @!p0 [sflag:s8], $0x0  }
0x24: {  	s3 =	sadd.s32 $0x88, s3;
	s6 =	simm.s32 @!p1 $0x1082;
	[sflag:s4] =	ssyncset.s32 $0xFFFFF086  }
0x25: {  	[simem:s6], [sflag:s4] =	dma.local [hbm:s3], $0xF7A  }
0x26: {  	[smem:$0x3F9F] =	sst s1;
	(tag) =	ssettag s2;
	_ =	strace s9  }
0x27: {  	s1 =	sld [smem:$0x3FAF]  }
0x28: {  	s2 =	sld [smem:$0x3FB0]  }
0x29: {  	s4 =	sld [smem:$0x3FB2]  }
0x2a: {  	p0 =	seq.s32 s5, $0x0;
	s5 =	sld [smem:$0x3FB3]  }
0x2b: {  	s6 =	sld [smem:$0x3FB4]  }
0x2c: {  	s7 =	sld [smem:$0x3FB5]  }
0x2d: {  	s3 =	simm.s32 $0x108;
	s8 =	sld [smem:$0x3FB6]  }
0x2e: {  	s3 =	simm.s32 @!p0 $0x1082;
	s9 =	sld [smem:$0x3FB7]  }
0x2f: {  	lr =	sadd.s32 s0, s3;
	s0 =	sld [smem:$0x3FAE]  }
0x30: {  	s3 =	sld [smem:$0x3FB1]  }
0x31: {  	[smem:$0x3FBA] =	sst s10  }
0x32: {  	s10 =	sld [smem:$0x3FB8];
	_ =	sdelay $0x3  }
0x33: {  	p0 =	seq.s32 s10, $0x1;
	s10 =	sld [smem:$0x3FBA];
	_ =	sdelay $0x3  }
0x34: {  	[smem:$0x3FBA] =	sst s10  }
0x35: {  	s10 =	sld [smem:$0x3FB9];
	_ =	sdelay $0x3  }
0x36: {  	p1 =	seq.s32 s10, $0x1;
	s10 =	sld [smem:$0x3FBA];
	_ =	sdelay $0x3  }
0x37: {  	[smem:$0x3FBA] =	sst s10  }
0x38: {  	s10 =	sld [smem:$0x3FBB]  }
0x39: {  	_ = 	snop;
	(pc) =	sbr.ind lr, $3  }
0x3a: {  	_ = 	snop  }
0x3b: {  	_ = 	snop  }
0x3c: {  	p2 =	seq.s32 s10, $0x1;
	s10 =	sld [smem:$0x3FBA]  }
0x3d: {  	_ =	shalt  }
0x3e: {  	_ =	shalt  }
0x3f: {  	_ =	shalt  }
0x40: {  	_ =	shalt  }
0x41: {  	_ =	shalt  }
0x42: {  	_ =	shalt  }
0x43: {  	_ =	shalt  }
0x44: {  	_ =	shalt  }
0x45: {  	_ =	shalt  }
0x46: {  	_ =	shalt  }
0x47: {  	_ =	shalt  }
0x48: {  	_ =	shalt  }
0x49: {  	_ =	shalt  }
0x4a: {  	_ =	shalt  }
0x4b: {  	_ =	shalt  }
0x4c: {  	_ =	shalt  }
0x4d: {  	_ =	shalt  }
0x4e: {  	_ =	shalt  }
0x4f: {  	_ =	shalt  }
0x50: {  	_ =	shalt  }
0x51: {  	_ =	shalt  }
0x52: {  	_ =	shalt  }
0x53: {  	_ =	shalt  }
0x54: {  	_ =	shalt  }
0x55: {  	_ =	shalt  }
0x56: {  	_ =	shalt  }
0x57: {  	_ =	shalt  }
0x58: {  	_ =	shalt  }
0x59: {  	_ =	shalt  }
0x5a: {  	_ =	shalt  }
0x5b: {  	_ =	shalt  }
0x5c: {  	_ =	shalt  }
0x5d: {  	_ =	shalt  }
0x5e: {  	_ =	shalt  }
0x5f: {  	_ =	shalt  }
0x60: {  	_ =	shalt  }
0x61: {  	_ =	shalt  }
0x62: {  	_ =	shalt  }
0x63: {  	_ =	shalt  }
0x64: {  	_ =	shalt  }
0x65: {  	_ =	shalt  }
0x66: {  	_ =	shalt  }
0x67: {  	_ =	shalt  }
0x68: {  	_ =	shalt  }
0x69: {  	_ =	shalt  }
0x6a: {  	_ =	shalt  }
0x6b: {  	_ =	shalt  }
0x6c: {  	_ =	shalt  }
0x6d: {  	_ =	shalt  }
0x6e: {  	_ =	shalt  }
0x6f: {  	_ =	shalt  }
0x70: {  	_ =	shalt  }
0x71: {  	_ =	shalt  }
0x72: {  	_ =	shalt  }
0x73: {  	_ =	shalt  }
0x74: {  	_ =	shalt  }
0x75: {  	_ =	shalt  }
0x76: {  	_ =	shalt  }
0x77: {  	_ =	shalt  }
0x78: {  	_ =	shalt  }
0x79: {  	_ =	shalt  }
0x7a: {  	_ =	shalt  }
0x7b: {  	_ =	shalt  }
0x7c: {  	_ =	shalt  }
0x7d: {  	_ =	shalt  }
0x7e: {  	_ =	shalt  }
0x7f: {  	_ =	shalt  }
0x80: {  	_ =	shalt  }
0x81: {  	_ =	shalt  }
0x82: {  	_ =	shalt  }
0x83: {  	_ =	shalt  }
0x84: {  	_ =	shalt  }
0x85: {  	_ =	shalt  }
0x86: {  	_ =	shalt  }
0x87: {  	_ =	shalt  }
.Lfunc_end0:
.L_simem_size_0:
called_computation_lowered:
.L_overlay_start_0:
0x88: {  	s2 =	sld [smem:$0x3FD9]  }
0x89: {  	s3 =	sld [smem:$0x3FFE];
	_ =	sdelay $0x1  }
0x8a: {  	s1 =	srdreg.scid  }
0x8b: {  	s0 =	sand.u32 $0x1, s1  }
0x8c: {  	s14 =	sshll.u32 s0, $0xA;
	s2 =	sadd.s32 s3, s2  }
0x8d: {  	s2 =	sadd.s32 s2, s14  }
0x8e: {  	[smem:$0x3FC6] =	sst s2  }
0x8f: {  	_ = 	snop  }
0x90: {  	s2 =	sld [smem:$0x3FD0];
	_ =	sdelay $0x2  }
0x91: {  	s4 =	simm.s32 $0xA;
	s5 =	simm.s32 $0x10;
	s15 =	sld [smem:$0x3FC8]  }
0x92: {  	[smem:s5], [sflag:s4] =	dma.local [hbm:s2], $0x1  }
0x93: {  	_ =	swait.eq [sflag:s4], $0x1  }
0x94: {  	[sflag:s4] =	ssyncset.done $0x0  }
0x95: {  	[sflag:s4] =	ssyncadd.s32 $0xFFFFFFFF  }
0x96: {  	s16 =	sld [smem:$0x10];
	(tm) =	ssettm $0x1  }
0x97: {  	s17 =	sld [smem:$0x3FFB];
	_ =	sdelay $0x3  }
0x98: {  	_ =	strace s17  }
0x99: {  	s4 =	sld [smem:$0x3FFC];
	_ =	sdelay $0x3  }
0x9a: {  	_ =	strace s4  }
0x9b: {  	s4 =	sld [smem:$0x3FFD];
	_ =	sdelay $0x3  }
0x9c: {  	_ =	strace s4  }
0x9d: {  	_ =	strace $0x8FFFFFFF  }
0x9e: {  	s18 =	sld [smem:$0x3FDB];
	_ =	sdelay $0x1  }
0x9f: {  	s19 =	simm.s32 $_scs_section_size  }
0xa0: {  	s6 =	simm.s32 $_size__tile_overlayer_lowered;
	s7 =	simm.s32 $_tile_overlayer_lowered  }
0xa1: {  	s22 =	simm.s32 $0x1BFF;
	s21 =	sshll.u32 s7, $0x1;
	s4 =	sadd.s32 s19, s18  }
0xa2: {  	s8 =	simm.s32 $0x0;
	s20 =	sshll.u32 s6, $0x1;
	s6 =	sadd.s32 s21, s4  }
0xa3: {  	[timem:s8], [sflag:s22] =	dma.local [hbm:s6], s20  }
0xa4: {  	_ =	swait.ge [sflag:s22], s20  }
0xa5: {  	s5 =	ssub.s32 $0x0, s20;
	[sflag:s22] =	ssyncset.done $0x0  }
0xa6: {  	[sflag:s22] =	ssyncadd.s32 s5;
	_ =	sdelay $0x1  }
0xa7: {  	s23 =	simm.s32 $0x1B8B  }
0xa8: {  	_ =	swait.ge [sflag:s23], $0x1  }
0xa9: {  	[sflag:s23] =	ssyncset.done $0x0  }
0xaa: {  	s25 =	simm.s32 $0x1B8E;
	s24 =	sld [smem:$0x3FFE];
	[sflag:s23] =	ssyncadd.s32 $0xFFFFFFFF  }
0xab: {  	s26 =	simm.s32 $execute0_lowered;
	[smem:$0x3FD2] =	sst s25  }
0xac: {  	s6 =	sshll.u32 s26, $0x1;
	_ =	strace $0x80000046;
	[dreg:$0x1] =	wrdreg $0xFFFFFFFF  }
0xad: {  	s28 =	simm.s32 $_size_execute0_lowered;
	s4 =	sadd.s32 s4, s6;
	[dreg:$0x0] =	wrdreg $0x0  }
0xae: {  	s6 =	sshll.u32 s28, $0x1;
	[dreg:$0x2] =	wrdreg s4  }
0xaf: {  	[dreg:$0x3] =	wrdreg s6  }
0xb0: {  	[dreg:$0x4] =	wrdreg $0xC0  }
0xb1: {  	_ =	task [dreg:s8], $0x5FFFF  }
0xb2: {  	[dreg:$0x1] =	wrdreg $0xFFFFFFFF  }
0xb3: {  	[dreg:$0x0] =	wrdreg $0x60  }
0xb4: {  	[dreg:$0x2] =	wrdreg s15  }
0xb5: {  	[dreg:$0x3] =	wrdreg s24  }
0xb6: {  	[dreg:$0x4] =	wrdreg s16  }
0xb7: {  	[dreg:$0x5] =	wrdreg $0x9  }
0xb8: {  	_ =	task.clear_ibuf [dreg:s8], $0x6FFFF;
	_ =	strace $0x90000046  }
0xb9: {  	s29 =	simm.s32 $0x9;
	_ =	strace $0x80000048  }
0xba: {  	_ =	swait.ge [sflag:s29], $0x1  }
0xbb: {  	[sflag:s29] =	ssyncadd.s32 $0xFFFFFFFF  }
0xbc: {  	_ =	strace $0x90000048  }
0xbd: {  	_ =	sfence  }
0xbe: {  	s30 =	sld [smem:$0x0];
	_ =	sdelay $0x2  }
0xbf: {  	s31 =	sshll.u32 s1, $0xD;
	s1 =	sshrl.u32 s1, $0x2  }
0xc0: {  	s3 =	sand.u32 $0x4000, s31;
	s1 =	sadd.s32 s1, s30  }
0xc1: {  	s0 =	sor.u32 s3, s0;
	s1 =	sshll.u32 s1, $0x11  }
0xc2: {  	s0 =	sor.u32 s1, s0  }
0xc3: {  	s0 =	sadd.s32 $0x8F2B, s0  }
0xc4: {  	[sflag:s0] =	ssyncadd.remote.s32 $0x1  }
0xc5: {  	_ =	sfence.sel $0xFFFF  }
0xc6: {  	[dreg:$0x0] =	wrdreg $0xFFFFFFFF;
	(pc) =	sbr.abs _section_cstart, $3  }
0xc7: {  	[dreg:$0x1] =	wrdreg $0xFFFFFFFF  }
0xc8: {  	_ =	task.clear_ibuf [dreg:s8], $0x2FFFF;
	_ =	strace $0x9FFFFFFF  }
0xc9: {  	(tm) =	ssettm $0x7FFFFFFF  }
tec
execute0_lowered:
.L_overlay_start_1:
0x0: {  	(tag) =	ssettag $0x1  }
0x1: {  	s2 =	srdreg.scid;
	s1 =	rddreg [dreg:$0x0]  }
0x2: {  	s0 =	stileid.u32;
	s4 =	rddreg [dreg:$0x1]  }
0x3: {  	s6 =	rddreg [dreg:$0x2];
	s15 =	simm.s32 $0x980;
	s16 =	simm.s32 $0x1180  }
0x4: {  	s17 =	simm.s32 $0x1980;
	s2 =	sand.u32 $0x1, s2;
	s3 =	sshll.u32 s0, $0x1  }
0x5: {  	s18 =	simm.s32 $0x2180;
	s5 =	sor.u32 s2, s3;
	s3 =	simm.s32 $0x0  }
0x6: {  	s19 =	simm.s32 $0x2980;
	s20 =	simm.s32 $0x3180;
	[smem:$0x7FF] =	sst s3  }
0x7: {  	s21 =	simm.s32 $0x3980;
	_ =	strace $0x80000047;
	[dreg:$0x6] =	wrdreg s15  }
0x8: {  	s23 =	simm.s32 $0x4180;
	s24 =	simm.s32 $0x4980;
	[dreg:$0x7] =	wrdreg s16  }
0x9: {  	s25 =	simm.s32 $0x5180;
	s26 =	simm.s32 $0x5980;
	[dreg:$0x8] =	wrdreg s17  }
0xa: {  	s8 =	simm.s32 $0x6980;
	s9 =	simm.s32 $0x7180;
	[dreg:$0x9] =	wrdreg s18  }
0xb: {  	s10 =	simm.s32 $0x7980;
	s11 =	simm.s32 $0x8180;
	[dreg:$0xa] =	wrdreg s19  }
0xc: {  	s12 =	simm.s32 $0x8980;
	s13 =	simm.s32 $0x9180;
	[dreg:$0xb] =	wrdreg s20  }
0xd: {  	s28 =	simm.s32 $0x10180;
	s29 =	simm.s32 $0x10980;
	[dreg:$0xc] =	wrdreg s21  }
0xe: {  	s30 =	simm.s32 $0x11180;
	s31 =	simm.s32 $0x11980;
	[dreg:$0xd] =	wrdreg s23  }
0xf: {  	s2 =	ssub.s32 $0x2, s2;
	s7 =	smul.u32 $0x24, s5;
	[dreg:$0xe] =	wrdreg s24  }
0x10: {  	s5 =	smul.u32 $0x2400, s5;
	s22 =	sshrl.u32 s2, $0x1;
	[dreg:$0xf] =	wrdreg s25  }
0x11: {  	s2 =	ssub.s32 s2, s22;
	[dreg:$0x10] =	wrdreg s26;
	s15 =	simm.s32 $0xA180  }
0x12: {  	s16 =	simm.s32 $0xA980;
	s17 =	simm.s32 $0xB180;
	s18 =	simm.s32 $0xB980  }
0x13: {  	s19 =	simm.s32 $0xC180;
	s20 =	simm.s32 $0xC980;
	s21 =	simm.s32 $0xD180  }
0x14: {  	s22 =	simm.s32 $0xD980;
	s23 =	simm.s32 $0xE180;
	s24 =	simm.s32 $0xE980  }
0x15: {  	s25 =	simm.s32 $0xF180;
	s26 =	simm.s32 $0xF980;
	s4 =	sadd.s32 s7, s4  }
0x16: {  	v2 =	vlaneseq.u32;
	s14 =	sadd.s32 s6, s5;
	s5 =	simm.s32 $0x2;
	s6 =	simm.s32 $0x180  }
0x17: {  	vm0 =	vmmov $0xffff;
	v1 =	vshrl.u32 v2, $0x3;
	s4 =	sadd.s32 $0x800, s4;
	[dreg:$0x5] =	wrdreg s14;
	s14 =	simm.s32 $0x9980  }
0x18: {  	v0 =	vand.u32 $0x7, v2;
	v2 =	vor.u32 $0x8, v2;
	v1 =	vmul.u32 $0x8, v1;
	[dreg:$0x4] =	wrdreg s4;
	s4 =	smax.u32 s2, $0x1;
	s2 =	simm.s32 $0x1  }
.LBB2_1:
0x19: {  	s0 =	rddreg [dreg:$0x4]  }
0x1a: {  	[tilespmem:s3], [sflag:$0x2] =	stream.linear.gather [hbm4b:s0+s3], $0x120, $0x38;
	[tilespmem:$0x12180] =	vst v63  }
0x1b: {  	_ =	swait.ge [sflag:s5], $0x120  }
0x1c: {  	[sflag:s5] =	ssyncset.done $0x0  }
0x1d: {  	[sflag:s5] =	ssyncadd.s32 $0xFFFFFEE0  }
0x1e: {  	v3 =	vld [tilespmem:$0x0];
	_ =	sdelay $0x4  }
0x1f: {  	v4 =	vshll.u32 v3, $0x1  }
0x20: {  	v3 =	vand.u32 $0x7, v3;
	v4 =	vand.u32 $0xFFFFFFF0, v4  }
0x21: {  	v3 =	vor.u32 v3, v4  }
0x22: {  	v4 =	vperm.xlane v3, v0;
	_ =	sdelay $0x1  }
0x23: {  	v3 =	vperm.xlane v3, v2;
	v4 =	vadd.s32 v1, v4;
	_ =	sdelay $0x1  }
0x24: {  	v3 =	vadd.s32 v1, v3;
	_ =	sdelay $0x2  }
0x25: {  	[tilespmem:s6], [sflag:$0x1] =	stream.indirect_vreg.gather [hbm4b:s1+s3], $0x80, v4, vm0, $0xb8;
	[tilespmem:$0x12180] =	vst v63  }
0x26: {  	s7 =	rddreg [dreg:$0x6]  }
0x27: {  	[tilespmem:s7], [sflag:$0x1] =	stream.indirect_vreg.gather [hbm4b:s1+s3], $0x80, v3, vm0, $0xb8;
	[tilespmem:$0x12180] =	vst v63  }
0x28: {  	v3 =	vld [tilespmem:$0x10];
	_ =	sdelay $0x4  }
0x29: {  	v47 =	vshll.u32 v3, $0x1  }
0x2a: {  	v3 =	vand.u32 $0x7, v3;
	v4 =	vand.u32 $0xFFFFFFF0, v47  }
0x2b: {  	v3 =	vor.u32 v3, v4  }
0x2c: {  	v4 =	vperm.xlane v3, v0;
	_ =	sdelay $0x1  }
0x2d: {  	v3 =	vperm.xlane v3, v2;
	v4 =	vadd.s32 v1, v4;
	_ =	sdelay $0x1  }
0x2e: {  	v3 =	vadd.s32 v1, v3;
	_ =	sdelay $0x1  }
0x2f: {  	s0 =	rddreg [dreg:$0x7]  }
0x30: {  	[tilespmem:s0], [sflag:$0x1] =	stream.indirect_vreg.gather [hbm4b:s1+s3], $0x80, v4, vm0, $0xb8;
	[tilespmem:$0x12180] =	vst v63  }
0x31: {  	s7 =	rddreg [dreg:$0x8]  }
0x32: {  	[tilespmem:s7], [sflag:$0x1] =	stream.indirect_vreg.gather [hbm4b:s1+s3], $0x80, v3, vm0, $0xb8;
	[tilespmem:$0x12180] =	vst v63  }
0x33: {  	v3 =	vld [tilespmem:$0x20];
	_ =	sdelay $0x4  }
0x34: {  	v48 =	vshll.u32 v3, $0x1  }
0x35: {  	v3 =	vand.u32 $0x7, v3;
	v4 =	vand.u32 $0xFFFFFFF0, v48  }
0x36: {  	v3 =	vor.u32 v3, v4  }
0x37: {  	v4 =	vperm.xlane v3, v0;
	_ =	sdelay $0x1  }
0x38: {  	v3 =	vperm.xlane v3, v2;
	v4 =	vadd.s32 v1, v4;
	_ =	sdelay $0x1  }
0x39: {  	v3 =	vadd.s32 v1, v3;
	_ =	sdelay $0x1  }
0x3a: {  	s0 =	rddreg [dreg:$0x9]  }
0x3b: {  	[tilespmem:s0], [sflag:$0x1] =	stream.indirect_vreg.gather [hbm4b:s1+s3], $0x80, v4, vm0, $0xb8;
	[tilespmem:$0x12180] =	vst v63  }
0x3c: {  	s7 =	rddreg [dreg:$0xa]  }
0x3d: {  	[tilespmem:s7], [sflag:$0x1] =	stream.indirect_vreg.gather [hbm4b:s1+s3], $0x80, v3, vm0, $0xb8;
	[tilespmem:$0x12180] =	vst v63  }
0x3e: {  	v3 =	vld [tilespmem:$0x30];
	_ =	sdelay $0x4  }
0x3f: {  	v49 =	vshll.u32 v3, $0x1  }
0x40: {  	v3 =	vand.u32 $0x7, v3;
	v4 =	vand.u32 $0xFFFFFFF0, v49  }
0x41: {  	v3 =	vor.u32 v3, v4  }
0x42: {  	v4 =	vperm.xlane v3, v0;
	_ =	sdelay $0x1  }
0x43: {  	v3 =	vperm.xlane v3, v2;
	v4 =	vadd.s32 v1, v4;
	_ =	sdelay $0x1  }
0x44: {  	v3 =	vadd.s32 v1, v3;
	_ =	sdelay $0x1  }
0x45: {  	s0 =	rddreg [dreg:$0xb]  }
0x46: {  	[tilespmem:s0], [sflag:$0x1] =	stream.indirect_vreg.gather [hbm4b:s1+s3], $0x80, v4, vm0, $0xb8;
	[tilespmem:$0x12180] =	vst v63  }
0x47: {  	s7 =	rddreg [dreg:$0xc]  }
0x48: {  	[tilespmem:s7], [sflag:$0x1] =	stream.indirect_vreg.gather [hbm4b:s1+s3], $0x80, v3, vm0, $0xb8;
	[tilespmem:$0x12180] =	vst v63  }
0x49: {  	v3 =	vld [tilespmem:$0x40];
	_ =	sdelay $0x4  }
0x4a: {  	v50 =	vshll.u32 v3, $0x1  }
0x4b: {  	v3 =	vand.u32 $0x7, v3;
	v4 =	vand.u32 $0xFFFFFFF0, v50  }
0x4c: {  	v3 =	vor.u32 v3, v4  }
0x4d: {  	v4 =	vperm.xlane v3, v0;
	_ =	sdelay $0x1  }
0x4e: {  	v3 =	vperm.xlane v3, v2;
	v4 =	vadd.s32 v1, v4;
	_ =	sdelay $0x1  }
0x4f: {  	v3 =	vadd.s32 v1, v3;
	_ =	sdelay $0x1  }
0x50: {  	s0 =	rddreg [dreg:$0xd]  }
0x51: {  	[tilespmem:s0], [sflag:$0x1] =	stream.indirect_vreg.gather [hbm4b:s1+s3], $0x80, v4, vm0, $0xb8;
	[tilespmem:$0x12180] =	vst v63  }
0x52: {  	s7 =	rddreg [dreg:$0xe]  }
0x53: {  	[tilespmem:s7], [sflag:$0x1] =	stream.indirect_vreg.gather [hbm4b:s1+s3], $0x80, v3, vm0, $0xb8;
	[tilespmem:$0x12180] =	vst v63  }
0x54: {  	v3 =	vld [tilespmem:$0x50];
	_ =	sdelay $0x4  }
0x55: {  	v51 =	vshll.u32 v3, $0x1  }
0x56: {  	v3 =	vand.u32 $0x7, v3;
	v4 =	vand.u32 $0xFFFFFFF0, v51  }
0x57: {  	v3 =	vor.u32 v3, v4  }
0x58: {  	v4 =	vperm.xlane v3, v0;
	_ =	sdelay $0x1  }
0x59: {  	v3 =	vperm.xlane v3, v2;
	v4 =	vadd.s32 v1, v4;
	_ =	sdelay $0x1  }
0x5a: {  	v3 =	vadd.s32 v1, v3;
	_ =	sdelay $0x1  }
0x5b: {  	s0 =	rddreg [dreg:$0xf]  }
0x5c: {  	[tilespmem:s0], [sflag:$0x1] =	stream.indirect_vreg.gather [hbm4b:s1+s3], $0x80, v4, vm0, $0xb8;
	[tilespmem:$0x12180] =	vst v63  }
0x5d: {  	s7 =	rddreg [dreg:$0x10]  }
0x5e: {  	[tilespmem:s7], [sflag:$0x1] =	stream.indirect_vreg.gather [hbm4b:s1+s3], $0x80, v3, vm0, $0xb8;
	[tilespmem:$0x12180] =	vst v63  }
0x5f: {  	v3 =	vld [tilespmem:$0x60];
	_ =	sdelay $0x4  }
0x60: {  	v52 =	vshll.u32 v3, $0x1  }
0x61: {  	v3 =	vand.u32 $0x7, v3;
	v4 =	vand.u32 $0xFFFFFFF0, v52  }
0x62: {  	v3 =	vor.u32 v3, v4  }
0x63: {  	v4 =	vperm.xlane v3, v0;
	_ =	sdelay $0x1  }
0x64: {  	v3 =	vperm.xlane v3, v2;
	v4 =	vadd.s32 v1, v4;
	_ =	sdelay $0x1  }
0x65: {  	v3 =	vadd.s32 v1, v3;
	_ =	sdelay $0x1  }
0x66: {  	s7 =	simm.s32 $0x6180  }
0x67: {  	[tilespmem:s7], [sflag:$0x1] =	stream.indirect_vreg.gather [hbm4b:s1+s3], $0x80, v4, vm0, $0xb8;
	[tilespmem:$0x12180] =	vst v63  }
0x68: {  	_ = 	snop  }
0x69: {  	[tilespmem:s8], [sflag:$0x1] =	stream.indirect_vreg.gather [hbm4b:s1+s3], $0x80, v3, vm0, $0xb8;
	[tilespmem:$0x12180] =	vst v63  }
0x6a: {  	v3 =	vld [tilespmem:$0x70];
	_ =	sdelay $0x4  }
0x6b: {  	v53 =	vshll.u32 v3, $0x1  }
0x6c: {  	v3 =	vand.u32 $0x7, v3;
	v4 =	vand.u32 $0xFFFFFFF0, v53  }
0x6d: {  	v3 =	vor.u32 v3, v4  }
0x6e: {  	v4 =	vperm.xlane v3, v0;
	_ =	sdelay $0x1  }
0x6f: {  	v3 =	vperm.xlane v3, v2;
	v4 =	vadd.s32 v1, v4;
	_ =	sdelay $0x1  }
0x70: {  	v3 =	vadd.s32 v1, v3;
	_ =	sdelay $0x2  }
0x71: {  	[tilespmem:s9], [sflag:$0x1] =	stream.indirect_vreg.gather [hbm4b:s1+s3], $0x80, v4, vm0, $0xb8;
	[tilespmem:$0x12180] =	vst v63  }
0x72: {  	_ = 	snop  }
0x73: {  	[tilespmem:s10], [sflag:$0x1] =	stream.indirect_vreg.gather [hbm4b:s1+s3], $0x80, v3, vm0, $0xb8;
	[tilespmem:$0x12180] =	vst v63  }
0x74: {  	v3 =	vld [tilespmem:$0x80];
	_ =	sdelay $0x4  }
0x75: {  	v54 =	vshll.u32 v3, $0x1  }
0x76: {  	v3 =	vand.u32 $0x7, v3;
	v4 =	vand.u32 $0xFFFFFFF0, v54  }
0x77: {  	v3 =	vor.u32 v3, v4  }
0x78: {  	v4 =	vperm.xlane v3, v0;
	_ =	sdelay $0x1  }
0x79: {  	v3 =	vperm.xlane v3, v2;
	v4 =	vadd.s32 v1, v4;
	_ =	sdelay $0x1  }
0x7a: {  	v3 =	vadd.s32 v1, v3;
	_ =	sdelay $0x2  }
0x7b: {  	[tilespmem:s11], [sflag:$0x1] =	stream.indirect_vreg.gather [hbm4b:s1+s3], $0x80, v4, vm0, $0xb8;
	[tilespmem:$0x12180] =	vst v63  }
0x7c: {  	_ = 	snop  }
0x7d: {  	[tilespmem:s12], [sflag:$0x1] =	stream.indirect_vreg.gather [hbm4b:s1+s3], $0x80, v3, vm0, $0xb8;
	[tilespmem:$0x12180] =	vst v63  }
0x7e: {  	v3 =	vld [tilespmem:$0x90];
	_ =	sdelay $0x4  }
0x7f: {  	v55 =	vshll.u32 v3, $0x1  }
0x80: {  	v3 =	vand.u32 $0x7, v3;
	v4 =	vand.u32 $0xFFFFFFF0, v55  }
0x81: {  	v3 =	vor.u32 v3, v4  }
0x82: {  	v4 =	vperm.xlane v3, v0;
	_ =	sdelay $0x1  }
0x83: {  	v3 =	vperm.xlane v3, v2;
	v4 =	vadd.s32 v1, v4;
	_ =	sdelay $0x1  }
0x84: {  	v3 =	vadd.s32 v1, v3;
	_ =	sdelay $0x2  }
0x85: {  	[tilespmem:s13], [sflag:$0x1] =	stream.indirect_vreg.gather [hbm4b:s1+s3], $0x80, v4, vm0, $0xb8;
	[tilespmem:$0x12180] =	vst v63  }
0x86: {  	_ = 	snop  }
0x87: {  	[tilespmem:s14], [sflag:$0x1] =	stream.indirect_vreg.gather [hbm4b:s1+s3], $0x80, v3, vm0, $0xb8;
	[tilespmem:$0x12180] =	vst v63  }
0x88: {  	v3 =	vld [tilespmem:$0xA0];
	_ =	sdelay $0x4  }
0x89: {  	v56 =	vshll.u32 v3, $0x1  }
0x8a: {  	v3 =	vand.u32 $0x7, v3;
	v4 =	vand.u32 $0xFFFFFFF0, v56  }
0x8b: {  	v3 =	vor.u32 v3, v4  }
0x8c: {  	v4 =	vperm.xlane v3, v0;
	_ =	sdelay $0x1  }
0x8d: {  	v3 =	vperm.xlane v3, v2;
	v4 =	vadd.s32 v1, v4;
	_ =	sdelay $0x1  }
0x8e: {  	v3 =	vadd.s32 v1, v3;
	_ =	sdelay $0x2  }
0x8f: {  	[tilespmem:s15], [sflag:$0x1] =	stream.indirect_vreg.gather [hbm4b:s1+s3], $0x80, v4, vm0, $0xb8;
	[tilespmem:$0x12180] =	vst v63  }
0x90: {  	_ = 	snop  }
0x91: {  	[tilespmem:s16], [sflag:$0x1] =	stream.indirect_vreg.gather [hbm4b:s1+s3], $0x80, v3, vm0, $0xb8;
	[tilespmem:$0x12180] =	vst v63  }
0x92: {  	v3 =	vld [tilespmem:$0xB0];
	_ =	sdelay $0x4  }
0x93: {  	v57 =	vshll.u32 v3, $0x1  }
0x94: {  	v3 =	vand.u32 $0x7, v3;
	v4 =	vand.u32 $0xFFFFFFF0, v57  }
0x95: {  	v3 =	vor.u32 v3, v4  }
0x96: {  	v4 =	vperm.xlane v3, v0;
	_ =	sdelay $0x1  }
0x97: {  	v3 =	vperm.xlane v3, v2;
	v4 =	vadd.s32 v1, v4;
	_ =	sdelay $0x1  }
0x98: {  	v3 =	vadd.s32 v1, v3;
	_ =	sdelay $0x2  }
0x99: {  	[tilespmem:s17], [sflag:$0x1] =	stream.indirect_vreg.gather [hbm4b:s1+s3], $0x80, v4, vm0, $0xb8;
	[tilespmem:$0x12180] =	vst v63  }
0x9a: {  	_ = 	snop  }
0x9b: {  	[tilespmem:s18], [sflag:$0x1] =	stream.indirect_vreg.gather [hbm4b:s1+s3], $0x80, v3, vm0, $0xb8;
	[tilespmem:$0x12180] =	vst v63  }
0x9c: {  	v3 =	vld [tilespmem:$0xC0];
	_ =	sdelay $0x4  }
0x9d: {  	v58 =	vshll.u32 v3, $0x1  }
0x9e: {  	v3 =	vand.u32 $0x7, v3;
	v4 =	vand.u32 $0xFFFFFFF0, v58  }
0x9f: {  	v3 =	vor.u32 v3, v4  }
0xa0: {  	v4 =	vperm.xlane v3, v0;
	_ =	sdelay $0x1  }
0xa1: {  	v3 =	vperm.xlane v3, v2;
	v4 =	vadd.s32 v1, v4;
	_ =	sdelay $0x1  }
0xa2: {  	v3 =	vadd.s32 v1, v3;
	_ =	sdelay $0x2  }
0xa3: {  	[tilespmem:s19], [sflag:$0x1] =	stream.indirect_vreg.gather [hbm4b:s1+s3], $0x80, v4, vm0, $0xb8;
	[tilespmem:$0x12180] =	vst v63  }
0xa4: {  	_ = 	snop  }
0xa5: {  	[tilespmem:s20], [sflag:$0x1] =	stream.indirect_vreg.gather [hbm4b:s1+s3], $0x80, v3, vm0, $0xb8;
	[tilespmem:$0x12180] =	vst v63  }
0xa6: {  	v3 =	vld [tilespmem:$0xD0];
	_ =	sdelay $0x4  }
0xa7: {  	v59 =	vshll.u32 v3, $0x1  }
0xa8: {  	v3 =	vand.u32 $0x7, v3;
	v4 =	vand.u32 $0xFFFFFFF0, v59  }
0xa9: {  	v3 =	vor.u32 v3, v4  }
0xaa: {  	v4 =	vperm.xlane v3, v0;
	_ =	sdelay $0x1  }
0xab: {  	v3 =	vperm.xlane v3, v2;
	v4 =	vadd.s32 v1, v4;
	_ =	sdelay $0x1  }
0xac: {  	v3 =	vadd.s32 v1, v3;
	_ =	sdelay $0x2  }
0xad: {  	[tilespmem:s21], [sflag:$0x1] =	stream.indirect_vreg.gather [hbm4b:s1+s3], $0x80, v4, vm0, $0xb8;
	[tilespmem:$0x12180] =	vst v63  }
0xae: {  	_ = 	snop  }
0xaf: {  	[tilespmem:s22], [sflag:$0x1] =	stream.indirect_vreg.gather [hbm4b:s1+s3], $0x80, v3, vm0, $0xb8;
	[tilespmem:$0x12180] =	vst v63  }
0xb0: {  	v3 =	vld [tilespmem:$0xE0];
	_ =	sdelay $0x4  }
0xb1: {  	v60 =	vshll.u32 v3, $0x1  }
0xb2: {  	v3 =	vand.u32 $0x7, v3;
	v4 =	vand.u32 $0xFFFFFFF0, v60  }
0xb3: {  	v3 =	vor.u32 v3, v4  }
0xb4: {  	v4 =	vperm.xlane v3, v0;
	_ =	sdelay $0x1  }
0xb5: {  	v3 =	vperm.xlane v3, v2;
	v4 =	vadd.s32 v1, v4;
	_ =	sdelay $0x1  }
0xb6: {  	v3 =	vadd.s32 v1, v3;
	_ =	sdelay $0x2  }
0xb7: {  	[tilespmem:s23], [sflag:$0x1] =	stream.indirect_vreg.gather [hbm4b:s1+s3], $0x80, v4, vm0, $0xb8;
	[tilespmem:$0x12180] =	vst v63  }
0xb8: {  	_ = 	snop  }
0xb9: {  	[tilespmem:s24], [sflag:$0x1] =	stream.indirect_vreg.gather [hbm4b:s1+s3], $0x80, v3, vm0, $0xb8;
	[tilespmem:$0x12180] =	vst v63  }
0xba: {  	v3 =	vld [tilespmem:$0xF0];
	_ =	sdelay $0x4  }
0xbb: {  	v61 =	vshll.u32 v3, $0x1  }
0xbc: {  	v3 =	vand.u32 $0x7, v3;
	v4 =	vand.u32 $0xFFFFFFF0, v61  }
0xbd: {  	v3 =	vor.u32 v3, v4  }
0xbe: {  	v4 =	vperm.xlane v3, v0;
	_ =	sdelay $0x1  }
0xbf: {  	v3 =	vperm.xlane v3, v2;
	v4 =	vadd.s32 v1, v4;
	_ =	sdelay $0x1  }
0xc0: {  	v3 =	vadd.s32 v1, v3;
	_ =	sdelay $0x2  }
0xc1: {  	[tilespmem:s25], [sflag:$0x1] =	stream.indirect_vreg.gather [hbm4b:s1+s3], $0x80, v4, vm0, $0xb8;
	[tilespmem:$0x12180] =	vst v63  }
0xc2: {  	_ = 	snop  }
0xc3: {  	[tilespmem:s26], [sflag:$0x1] =	stream.indirect_vreg.gather [hbm4b:s1+s3], $0x80, v3, vm0, $0xb8;
	[tilespmem:$0x12180] =	vst v63  }
0xc4: {  	v3 =	vld [tilespmem:$0x100];
	_ =	sdelay $0x4  }
0xc5: {  	v62 =	vshll.u32 v3, $0x1  }
0xc6: {  	v3 =	vand.u32 $0x7, v3;
	v4 =	vand.u32 $0xFFFFFFF0, v62  }
0xc7: {  	v3 =	vor.u32 v3, v4  }
0xc8: {  	v4 =	vperm.xlane v3, v0;
	_ =	sdelay $0x1  }
0xc9: {  	v3 =	vperm.xlane v3, v2;
	v4 =	vadd.s32 v1, v4;
	_ =	sdelay $0x1  }
0xca: {  	v3 =	vadd.s32 v1, v3;
	_ =	sdelay $0x2  }
0xcb: {  	[tilespmem:s28], [sflag:$0x1] =	stream.indirect_vreg.gather [hbm4b:s1+s3], $0x80, v4, vm0, $0xb8;
	[tilespmem:$0x12180] =	vst v63  }
0xcc: {  	_ = 	snop  }
0xcd: {  	[tilespmem:s29], [sflag:$0x1] =	stream.indirect_vreg.gather [hbm4b:s1+s3], $0x80, v3, vm0, $0xb8;
	[tilespmem:$0x12180] =	vst v63  }
0xce: {  	v3 =	vld [tilespmem:$0x110];
	_ =	sdelay $0x4  }
0xcf: {  	v63 =	vshll.u32 v3, $0x1  }
0xd0: {  	v3 =	vand.u32 $0x7, v3;
	v4 =	vand.u32 $0xFFFFFFF0, v63  }
0xd1: {  	v3 =	vor.u32 v3, v4  }
0xd2: {  	v4 =	vperm.xlane v3, v0;
	_ =	sdelay $0x1  }
0xd3: {  	v3 =	vperm.xlane v3, v2;
	v4 =	vadd.s32 v1, v4;
	_ =	sdelay $0x1  }
0xd4: {  	v3 =	vadd.s32 v1, v3;
	_ =	sdelay $0x2  }
0xd5: {  	[tilespmem:s30], [sflag:$0x1] =	stream.indirect_vreg.gather [hbm4b:s1+s3], $0x80, v4, vm0, $0xb8;
	[tilespmem:$0x12180] =	vst v63  }
0xd6: {  	_ = 	snop  }
0xd7: {  	[tilespmem:s31], [sflag:$0x1] =	stream.indirect_vreg.gather [hbm4b:s1+s3], $0x80, v3, vm0, $0xb8;
	[tilespmem:$0x12180] =	vst v63  }
0xd8: {  	_ =	swait.ge [sflag:s2], $0x12000  }
0xd9: {  	p0 =	sne.s32 s4, $0x1;
	[sflag:s2] =	ssyncset.done $0x0  }
.Ltmp0:
0xda: {  	s7 =	rddreg [dreg:$0x5];
	[sflag:s2] =	ssyncadd.s32 $0xFFFEE000;
	(pc) =	sbr.rel @p0 .LBB2_1-.Ltmp0, $4  }
0xdb: {  	[hbm4b:s7+s3] =	stream.linear.scatter [tilespmem:s6], [sflag:$0x2], $0x12000, $0x38;
	[tilespmem:$0x12180] =	vst v63  }
0xdc: {  	_ =	swait.ge [sflag:s5], $0x12000  }
0xdd: {  	[sflag:s5] =	ssyncset.done $0x0  }
0xde: {  	s4 =	sadd.s32 $0xFFFFFFFF, s4;
	[sflag:s5] =	ssyncadd.s32 $0xFFFEE000  }
0xdf: {  	_ =	sfence.sel $0x180000  }
0xe0: {  	[bflag:$0x0] =	sbarrier.arrive $0xFFFF  }
0xe1: {  	_ =	strace $0x90000047  }
0xe2: {  	s0 =	stileid.u32;
	[bflag:$0x2] =	sbarrier.arrive $0xFFFF  }
0xe3: {  	p0 =	sne.s32 s0, $0x0;
	s0 =	rddreg [dreg:$0x3]  }
0xe4: {  	s0 =	sadd.s32 @!p0 $0x100000, s0  }
0xe5: {  	[sflag:s0] =	ssyncadd.tile.s32 @!p0 $0x1;
	_ =	shalt  }
.Lfunc_end2:
_tile_overlayer_lowered:
.L_overlay_start_2:
0xe6: {  	(tag) =	ssettag $0x2  }
0xe7: {  	s0 =	rddreg [dreg:$0x0];
	s2 =	stileid.u32  }
0xe8: {  	s1 =	rddreg [dreg:$0x1];
	p0 =	sne.s32 s2, $0x0  }
0xe9: {  	s3 =	rddreg [dreg:$0x2];
	[bflag:$0x3] =	sbarrier.arrive $0xFFFF;
	s2 =	simm.s32 @!p0 $0x1C02  }
0xea: {  	[timem:s3], [sflag:s2] =	dma.local @!p0 [hbm:s0], s1  }
0xeb: {  	s0 =	simm.s32 @!p0 $0x2  }
0xec: {  	_ =	swait.ge @!p0 [sflag:s0], s1  }
0xed: {  	s1 =	ssub.s32 @!p0 $0x0, s1;
	[sflag:s0] =	ssyncset.done @!p0 $0x0  }
0xee: {  	[sflag:s0] =	ssyncadd.s32 @!p0 s1  }
0xef: {  	[bflag:$0x3] =	sbarrier.arrive $0xFFFF  }
0xf0: {  	_ =	shalt  }

</sc_bundles>
